<compile_context>
chip_gen: v7x
topology: tpu7x:2x2x1
jax: 0.10.2.dev20260603
libtpu: 0.0.44.dev20260713+nightly
codegen_flags: <defaults>
</compile_context>

<pallas_src>
import functools

import jax
import jax.numpy as jnp
from jax import lax
from jax.experimental import pallas as pl
from jax.experimental.pallas import tpu as pltpu
from jax.experimental.pallas import tpu_sc as plsc

@jax.jit
def _embed(tokens, W_E):
    B, S = tokens.shape
    N = B * S
    D_MODEL = W_E.shape[1]
    info = plsc.get_sparse_core_info()
    NW = info.num_cores * info.num_subcores
    n_per_w = N // NW
    w_per_row = S // n_per_w
    C = 32
    NBUF = 4
    n_chunks = n_per_w // C

    mesh = plsc.VectorSubcoreMesh(core_axis_name="c", subcore_axis_name="s")

    @functools.partial(
        pl.kernel,
        mesh=mesh,
        out_type=jax.ShapeDtypeStruct((N, D_MODEL), jnp.float32),
        scratch_types=[
            pltpu.VMEM((n_per_w,), jnp.int32),
            pltpu.VMEM((NBUF, C, D_MODEL), jnp.float32),
        ]
        + [pltpu.SemaphoreType.DMA] * (2 * NBUF),
    )
    def embed_k(tok_hbm, w_hbm, out_hbm, idx_v, rows_v, *sems):
        gsem = sems[:NBUF]
        ssem = sems[NBUF:]
        wid = lax.axis_index("s") * info.num_cores + lax.axis_index("c")
        base = wid * n_per_w
        r = wid // w_per_row
        col = (wid % w_per_row) * n_per_w
        pltpu.sync_copy(tok_hbm.at[r, pl.ds(col, n_per_w)], idx_v)

        def start_gather(i, b):
            return pltpu.async_copy(
                w_hbm.at[idx_v.at[pl.ds(i * C, C)]], rows_v.at[b], gsem[b]
            )

        def start_scatter(i, b):
            return pltpu.async_copy(
                rows_v.at[b], out_hbm.at[pl.ds(base + i * C, C)], ssem[b]
            )

        g = [None] * NBUF
        s = [None] * NBUF
        for i in range(n_chunks):
            b = i % NBUF
            if s[b] is not None:
                s[b].wait()
            g[b] = start_gather(i, b)
            if i >= NBUF - 1:
                j = i - (NBUF - 1)
                pb = j % NBUF
                g[pb].wait()
                s[pb] = start_scatter(j, pb)
        for j in range(n_chunks - (NBUF - 1), n_chunks):
            pb = j % NBUF
            g[pb].wait()
            s[pb] = start_scatter(j, pb)
        for b in range(NBUF):
            if s[b] is not None:
                s[b].wait()

    return embed_k(tokens, W_E)


def kernel(tokens, W_E):
    B, S = tokens.shape
    out = _embed(tokens.astype(jnp.int32), W_E)
    return out.reshape(B, S, W_E.shape[1])

# --- scband reference (transcript-rebuilt; emitter-appended) ---
"""Pipeline reference for scband-embed-28724741275705 (READ-ONLY COPY).

The authoritative reference and input builder live on the scoring server;
editing this copy changes nothing except your own understanding.
"""

import jax, jax.numpy as jnp
import numpy as np

D_VOCAB = 100000
D_MODEL = 768
INIT_RANGE = 0.02
BATCH = 4
SEQ_LEN = 4096

def setup_inputs(seed: int = 0) -> dict:
    key = jax.random.key(seed)
    k_tok, k_w = jax.random.split(key)
    tokens = jax.random.randint(k_tok, (BATCH, SEQ_LEN), 0, D_VOCAB, dtype=jnp.int64 if jax.config.jax_enable_x64 else jnp.int32)
    W_E = jax.random.normal(k_w, (D_VOCAB, D_MODEL), dtype=jnp.float32) * INIT_RANGE
    return {"tokens": tokens, "W_E": W_E}

def reference(tokens, W_E):
    tokens = tokens.astype(jnp.int32)
    embed = jnp.take(W_E, tokens, axis=0)
    return embed

if __name__ == "__main__":
    import jax
    _d = setup_inputs()
    print(jax.jit(kernel)(*tuple(_d.values())))

</pallas_src>

<mosaic_0001>
#map = affine_map<(d0, d1) -> (0, 0)>
module attributes {stable_mosaic.version = 14 : i64} {
  func.func @embed_k(%arg0: i32, %arg1: i32, %arg2: memref<4x4096xi32, #tpu.memory_space<hbm>>, %arg3: memref<100000x768xf32, #tpu.memory_space<hbm>>, %arg4: memref<16384x768xf32, #tpu.memory_space<hbm>>, %arg5: memref<512xi32, #tpu.memory_space<vmem>>, %arg6: memref<4x32x768xf32, #tpu.memory_space<vmem>>, %arg7: memref<!tpu.dma_semaphore, #tpu.memory_space<semaphore_mem>>, %arg8: memref<!tpu.dma_semaphore, #tpu.memory_space<semaphore_mem>>, %arg9: memref<!tpu.dma_semaphore, #tpu.memory_space<semaphore_mem>>, %arg10: memref<!tpu.dma_semaphore, #tpu.memory_space<semaphore_mem>>, %arg11: memref<!tpu.dma_semaphore, #tpu.memory_space<semaphore_mem>>, %arg12: memref<!tpu.dma_semaphore, #tpu.memory_space<semaphore_mem>>, %arg13: memref<!tpu.dma_semaphore, #tpu.memory_space<semaphore_mem>>, %arg14: memref<!tpu.dma_semaphore, #tpu.memory_space<semaphore_mem>>) attributes {dimension_semantics = [#tpu.dimension_semantics<core_parallel>, #tpu.dimension_semantics<subcore_parallel>], iteration_bounds = array<i64: 2, 16>, scalar_prefetch = 0 : i64, scratch_operands = 10 : i64, tpu.core_type = #tpu.core_type<sc_vector_subcore>, window_params = [{transform_indices = #map}, {transform_indices = #map}, {transform_indices = #map}]} {
    %mul3A = arith.constant 2 : i32
    %mul3A_0 = arith.muli %arg1, %mul3A : i32
    %add3A = arith.addi %mul3A_0, %arg0 : i32
    %mul3A_1 = arith.constant 512 : i32
    %mul3A_2 = arith.muli %add3A, %mul3A_1 : i32
    %jit3A = arith.constant 8 : i32
    %div3A = arith.divsi %add3A, %jit3A : i32
    %sign3A = arith.constant 0 : i32
    %sign3A_3 = arith.cmpi sgt, %add3A, %sign3A : i32
    %sign3A_4 = arith.extui %sign3A_3 : i1 to i32
    %sign3A_5 = arith.constant 0 : i32
    %sign3A_6 = arith.cmpi slt, %add3A, %sign3A_5 : i32
    %sign3A_7 = arith.extui %sign3A_6 : i1 to i32
    %sign3A_8 = arith.subi %sign3A_4, %sign3A_7 : i32
    %sign3A_9 = arith.constant 0 : i32
    %sign3A_10 = arith.cmpi sgt, %jit3A, %sign3A_9 : i32
    %sign3A_11 = arith.extui %sign3A_10 : i1 to i32
    %sign3A_12 = arith.constant 0 : i32
    %sign3A_13 = arith.cmpi slt, %jit3A, %sign3A_12 : i32
    %sign3A_14 = arith.extui %sign3A_13 : i1 to i32
    %sign3A_15 = arith.subi %sign3A_11, %sign3A_14 : i32
    %ne3A = arith.cmpi ne, %sign3A_8, %sign3A_15 : i32
    %rem3A = arith.remsi %add3A, %jit3A : i32
    %ne3A_16 = arith.constant 0 : i32
    %ne3A_17 = arith.cmpi ne, %rem3A, %ne3A_16 : i32
    %and3A = arith.andi %ne3A, %ne3A_17 : i1
    %sub3A = arith.constant 1 : i32
    %sub3A_18 = arith.subi %div3A, %sub3A : i32
    %select_n3A = arith.select %and3A, %sub3A_18, %div3A : i32
    %jit3A_19 = arith.constant 8 : i32
    %eq3A = arith.constant 0 : i32
    %eq3A_20 = arith.cmpi eq, %jit3A_19, %eq3A : i32
    %jit3A_21 = arith.constant 1 : i32
    %select_n3A_22 = arith.select %eq3A_20, %jit3A_21, %jit3A_19 : i32
    %rem3A_23 = arith.remsi %add3A, %select_n3A_22 : i32
    %ne3A_24 = arith.constant 0 : i32
    %ne3A_25 = arith.cmpi ne, %rem3A_23, %ne3A_24 : i32
    %lt3A = arith.constant 0 : i32
    %lt3A_26 = arith.cmpi slt, %rem3A_23, %lt3A : i32
    %lt3A_27 = arith.constant 0 : i32
    %lt3A_28 = arith.cmpi slt, %select_n3A_22, %lt3A_27 : i32
    %ne3A_29 = arith.xori %lt3A_26, %lt3A_28 : i1
    %and3A_30 = arith.andi %ne3A_29, %ne3A_25 : i1
    %add3A_31 = arith.addi %rem3A_23, %select_n3A_22 : i32
    %select_n3A_32 = arith.select %and3A_30, %add3A_31, %rem3A_23 : i32
    %mul3A_33 = arith.constant 512 : i32
    %mul3A_34 = arith.muli %select_n3A_32, %mul3A_33 : i32
    "tpu.region"() ({
      %run_scoped3A = tpu.sem_alloc : memref<!tpu.dma_semaphore, #tpu.memory_space<semaphore_mem>>
      %dma_start3A_801 = tpu.memref_slice %arg2[%select_n3A, %mul3A_34] : memref<4x4096xi32, #tpu.memory_space<hbm>> -> memref<1x512xi32, #tpu.memory_space<hbm>>
      %dma_start3A_802 = tpu.memref_squeeze %dma_start3A_801 : memref<1x512xi32, #tpu.memory_space<hbm>> -> memref<512xi32, #tpu.memory_space<hbm>>
      %dma_start3A_803 = tpu.memref_slice %arg2[%select_n3A, %mul3A_34] : memref<4x4096xi32, #tpu.memory_space<hbm>> -> memref<1x512xi32, #tpu.memory_space<hbm>>
      %dma_start3A_804 = tpu.memref_squeeze %dma_start3A_803 : memref<1x512xi32, #tpu.memory_space<hbm>> -> memref<512xi32, #tpu.memory_space<hbm>>
      tpu.enqueue_dma source(%dma_start3A_804 : memref<512xi32, #tpu.memory_space<hbm>>) target(%arg5 : memref<512xi32, #tpu.memory_space<vmem>>) target_semaphore(%run_scoped3A : memref<!tpu.dma_semaphore, #tpu.memory_space<semaphore_mem>>)
      %dma_wait3A_805 = tpu.memref_slice %arg2[%select_n3A, %mul3A_34] : memref<4x4096xi32, #tpu.memory_space<hbm>> -> memref<1x512xi32, #tpu.memory_space<hbm>>
      %dma_wait3A_806 = tpu.memref_squeeze %dma_wait3A_805 : memref<1x512xi32, #tpu.memory_space<hbm>> -> memref<512xi32, #tpu.memory_space<hbm>>
      %dma_wait3A_807 = tpu.memref_slice %arg2[%select_n3A, %mul3A_34] : memref<4x4096xi32, #tpu.memory_space<hbm>> -> memref<1x512xi32, #tpu.memory_space<hbm>>
      %dma_wait3A_808 = tpu.memref_squeeze %dma_wait3A_807 : memref<1x512xi32, #tpu.memory_space<hbm>> -> memref<512xi32, #tpu.memory_space<hbm>>
      tpu.wait_dma2 semaphore(%run_scoped3A : memref<!tpu.dma_semaphore, #tpu.memory_space<semaphore_mem>>) src(%dma_wait3A_808 : memref<512xi32, #tpu.memory_space<hbm>>) dst(%arg5 : memref<512xi32, #tpu.memory_space<vmem>>)
      tpu.yield
    }) : () -> ()
    %dma_start3A = arith.constant 0 : i32
    %dma_start3A_35 = arith.constant 0 : i32
    %dma_start3A_36 = arith.constant 0 : i32
    %dma_start3A_37 = tpu.memref_slice %arg6[%dma_start3A, %dma_start3A_35, %dma_start3A_36] : memref<4x32x768xf32, #tpu.memory_space<vmem>> -> memref<1x32x768xf32, #tpu.memory_space<vmem>>
    %dma_start3A_38 = tpu.memref_squeeze %dma_start3A_37 : memref<1x32x768xf32, #tpu.memory_space<vmem>> -> memref<32x768xf32, #tpu.memory_space<vmem>>
    %dma_start3A_39 = arith.constant 0 : i32
    %dma_start3A_40 = tpu.memref_slice %arg5[%dma_start3A_39] : memref<512xi32, #tpu.memory_space<vmem>> -> memref<32xi32, #tpu.memory_space<vmem>>
    %dma_start3A_41 = arith.constant 0 : i32
    %dma_start3A_42 = arith.constant 0 : i32
    %dma_start3A_43 = tpu.memref_slice %arg3[%dma_start3A_41, %dma_start3A_42] : memref<100000x768xf32, #tpu.memory_space<hbm>> -> memref<100000x768xf32, #tpu.memory_space<hbm>>
    tpu.enqueue_indirect_dma source(%dma_start3A_43 : memref<100000x768xf32, #tpu.memory_space<hbm>>) target(%dma_start3A_38 : memref<32x768xf32, #tpu.memory_space<vmem>>) offsets(%dma_start3A_40 : memref<32xi32, #tpu.memory_space<vmem>>) semaphore(%arg7 : memref<!tpu.dma_semaphore, #tpu.memory_space<semaphore_mem>>)
    %dma_start3A_44 = arith.constant 1 : i32
    %dma_start3A_45 = arith.constant 0 : i32
    %dma_start3A_46 = arith.constant 0 : i32
    %dma_start3A_47 = tpu.memref_slice %arg6[%dma_start3A_44, %dma_start3A_45, %dma_start3A_46] : memref<4x32x768xf32, #tpu.memory_space<vmem>> -> memref<1x32x768xf32, #tpu.memory_space<vmem>>
    %dma_start3A_48 = tpu.memref_squeeze %dma_start3A_47 : memref<1x32x768xf32, #tpu.memory_space<vmem>> -> memref<32x768xf32, #tpu.memory_space<vmem>>
    %dma_start3A_49 = arith.constant 32 : i32
    %dma_start3A_50 = tpu.memref_slice %arg5[%dma_start3A_49] : memref<512xi32, #tpu.memory_space<vmem>> -> memref<32xi32, #tpu.memory_space<vmem>>
    %dma_start3A_51 = arith.constant 0 : i32
    %dma_start3A_52 = arith.constant 0 : i32
    %dma_start3A_53 = tpu.memref_slice %arg3[%dma_start3A_51, %dma_start3A_52] : memref<100000x768xf32, #tpu.memory_space<hbm>> -> memref<100000x768xf32, #tpu.memory_space<hbm>>
    tpu.enqueue_indirect_dma source(%dma_start3A_53 : memref<100000x768xf32, #tpu.memory_space<hbm>>) target(%dma_start3A_48 : memref<32x768xf32, #tpu.memory_space<vmem>>) offsets(%dma_start3A_50 : memref<32xi32, #tpu.memory_space<vmem>>) semaphore(%arg8 : memref<!tpu.dma_semaphore, #tpu.memory_space<semaphore_mem>>)
    %dma_start3A_54 = arith.constant 2 : i32
    %dma_start3A_55 = arith.constant 0 : i32
    %dma_start3A_56 = arith.constant 0 : i32
    %dma_start3A_57 = tpu.memref_slice %arg6[%dma_start3A_54, %dma_start3A_55, %dma_start3A_56] : memref<4x32x768xf32, #tpu.memory_space<vmem>> -> memref<1x32x768xf32, #tpu.memory_space<vmem>>
    %dma_start3A_58 = tpu.memref_squeeze %dma_start3A_57 : memref<1x32x768xf32, #tpu.memory_space<vmem>> -> memref<32x768xf32, #tpu.memory_space<vmem>>
    %dma_start3A_59 = arith.constant 64 : i32
    %dma_start3A_60 = tpu.memref_slice %arg5[%dma_start3A_59] : memref<512xi32, #tpu.memory_space<vmem>> -> memref<32xi32, #tpu.memory_space<vmem>>
    %dma_start3A_61 = arith.constant 0 : i32
    %dma_start3A_62 = arith.constant 0 : i32
    %dma_start3A_63 = tpu.memref_slice %arg3[%dma_start3A_61, %dma_start3A_62] : memref<100000x768xf32, #tpu.memory_space<hbm>> -> memref<100000x768xf32, #tpu.memory_space<hbm>>
    tpu.enqueue_indirect_dma source(%dma_start3A_63 : memref<100000x768xf32, #tpu.memory_space<hbm>>) target(%dma_start3A_58 : memref<32x768xf32, #tpu.memory_space<vmem>>) offsets(%dma_start3A_60 : memref<32xi32, #tpu.memory_space<vmem>>) semaphore(%arg9 : memref<!tpu.dma_semaphore, #tpu.memory_space<semaphore_mem>>)
    %dma_start3A_64 = arith.constant 3 : i32
    %dma_start3A_65 = arith.constant 0 : i32
    %dma_start3A_66 = arith.constant 0 : i32
    %dma_start3A_67 = tpu.memref_slice %arg6[%dma_start3A_64, %dma_start3A_65, %dma_start3A_66] : memref<4x32x768xf32, #tpu.memory_space<vmem>> -> memref<1x32x768xf32, #tpu.memory_space<vmem>>
    %dma_start3A_68 = tpu.memref_squeeze %dma_start3A_67 : memref<1x32x768xf32, #tpu.memory_space<vmem>> -> memref<32x768xf32, #tpu.memory_space<vmem>>
    %dma_start3A_69 = arith.constant 96 : i32
    %dma_start3A_70 = tpu.memref_slice %arg5[%dma_start3A_69] : memref<512xi32, #tpu.memory_space<vmem>> -> memref<32xi32, #tpu.memory_space<vmem>>
    %dma_start3A_71 = arith.constant 0 : i32
    %dma_start3A_72 = arith.constant 0 : i32
    %dma_start3A_73 = tpu.memref_slice %arg3[%dma_start3A_71, %dma_start3A_72] : memref<100000x768xf32, #tpu.memory_space<hbm>> -> memref<100000x768xf32, #tpu.memory_space<hbm>>
    tpu.enqueue_indirect_dma source(%dma_start3A_73 : memref<100000x768xf32, #tpu.memory_space<hbm>>) target(%dma_start3A_68 : memref<32x768xf32, #tpu.memory_space<vmem>>) offsets(%dma_start3A_70 : memref<32xi32, #tpu.memory_space<vmem>>) semaphore(%arg10 : memref<!tpu.dma_semaphore, #tpu.memory_space<semaphore_mem>>)
    %dma_wait3A = arith.constant 0 : i32
    %dma_wait3A_74 = arith.constant 0 : i32
    %dma_wait3A_75 = arith.constant 0 : i32
    %dma_wait3A_76 = tpu.memref_slice %arg6[%dma_wait3A, %dma_wait3A_74, %dma_wait3A_75] : memref<4x32x768xf32, #tpu.memory_space<vmem>> -> memref<1x32x768xf32, #tpu.memory_space<vmem>>
    %dma_wait3A_77 = tpu.memref_squeeze %dma_wait3A_76 : memref<1x32x768xf32, #tpu.memory_space<vmem>> -> memref<32x768xf32, #tpu.memory_space<vmem>>
    %dma_wait3A_78 = arith.constant 0 : i32
    %dma_wait3A_79 = tpu.memref_slice %arg5[%dma_wait3A_78] : memref<512xi32, #tpu.memory_space<vmem>> -> memref<32xi32, #tpu.memory_space<vmem>>
    %dma_wait3A_80 = arith.constant 0 : i32
    %dma_wait3A_81 = arith.constant 0 : i32
    %dma_wait3A_82 = tpu.memref_slice %arg3[%dma_wait3A_80, %dma_wait3A_81] : memref<100000x768xf32, #tpu.memory_space<hbm>> -> memref<100000x768xf32, #tpu.memory_space<hbm>>
    tpu.wait_indirect_dma semaphore(%arg7 : memref<!tpu.dma_semaphore, #tpu.memory_space<semaphore_mem>>) src(%dma_wait3A_82 : memref<100000x768xf32, #tpu.memory_space<hbm>>) dst(%dma_wait3A_77 : memref<32x768xf32, #tpu.memory_space<vmem>>)
    %add3A_83 = arith.constant 0 : i32
    %add3A_84 = arith.addi %mul3A_2, %add3A_83 : i32
    %dma_start3A_85 = arith.constant 0 : i32
    %dma_start3A_86 = arith.constant 0 : i32
    %dma_start3A_87 = arith.constant 0 : i32
    %dma_start3A_88 = tpu.memref_slice %arg6[%dma_start3A_85, %dma_start3A_86, %dma_start3A_87] : memref<4x32x768xf32, #tpu.memory_space<vmem>> -> memref<1x32x768xf32, #tpu.memory_space<vmem>>
    %dma_start3A_89 = tpu.memref_squeeze %dma_start3A_88 : memref<1x32x768xf32, #tpu.memory_space<vmem>> -> memref<32x768xf32, #tpu.memory_space<vmem>>
    %dma_start3A_90 = arith.constant 0 : i32
    %dma_start3A_91 = tpu.memref_slice %arg4[%add3A_84, %dma_start3A_90] : memref<16384x768xf32, #tpu.memory_space<hbm>> -> memref<32x768xf32, #tpu.memory_space<hbm>>
    %dma_start3A_92 = arith.constant 0 : i32
    %dma_start3A_93 = tpu.memref_slice %arg4[%add3A_84, %dma_start3A_92] : memref<16384x768xf32, #tpu.memory_space<hbm>> -> memref<32x768xf32, #tpu.memory_space<hbm>>
    %dma_start3A_94 = arith.constant 0 : i32
    %dma_start3A_95 = arith.constant 0 : i32
    %dma_start3A_96 = tpu.memref_slice %arg6[%dma_start3A_85, %dma_start3A_94, %dma_start3A_95] : memref<4x32x768xf32, #tpu.memory_space<vmem>> -> memref<1x32x768xf32, #tpu.memory_space<vmem>>
    %dma_start3A_97 = tpu.memref_squeeze %dma_start3A_96 : memref<1x32x768xf32, #tpu.memory_space<vmem>> -> memref<32x768xf32, #tpu.memory_space<vmem>>
    tpu.enqueue_dma source(%dma_start3A_97 : memref<32x768xf32, #tpu.memory_space<vmem>>) target(%dma_start3A_93 : memref<32x768xf32, #tpu.memory_space<hbm>>) target_semaphore(%arg11 : memref<!tpu.dma_semaphore, #tpu.memory_space<semaphore_mem>>)
    %dma_wait3A_98 = arith.constant 0 : i32
    %dma_wait3A_99 = arith.constant 0 : i32
    %dma_wait3A_100 = arith.constant 0 : i32
    %dma_wait3A_101 = tpu.memref_slice %arg6[%dma_wait3A_98, %dma_wait3A_99, %dma_wait3A_100] : memref<4x32x768xf32, #tpu.memory_space<vmem>> -> memref<1x32x768xf32, #tpu.memory_space<vmem>>
    %dma_wait3A_102 = tpu.memref_squeeze %dma_wait3A_101 : memref<1x32x768xf32, #tpu.memory_space<vmem>> -> memref<32x768xf32, #tpu.memory_space<vmem>>
    %dma_wait3A_103 = arith.constant 0 : i32
    %dma_wait3A_104 = tpu.memref_slice %arg4[%add3A_84, %dma_wait3A_103] : memref<16384x768xf32, #tpu.memory_space<hbm>> -> memref<32x768xf32, #tpu.memory_space<hbm>>
    %dma_wait3A_105 = arith.constant 0 : i32
    %dma_wait3A_106 = tpu.memref_slice %arg4[%add3A_84, %dma_wait3A_105] : memref<16384x768xf32, #tpu.memory_space<hbm>> -> memref<32x768xf32, #tpu.memory_space<hbm>>
    %dma_wait3A_107 = arith.constant 0 : i32
    %dma_wait3A_108 = arith.constant 0 : i32
    %dma_wait3A_109 = tpu.memref_slice %arg6[%dma_wait3A_98, %dma_wait3A_107, %dma_wait3A_108] : memref<4x32x768xf32, #tpu.memory_space<vmem>> -> memref<1x32x768xf32, #tpu.memory_space<vmem>>
    %dma_wait3A_110 = tpu.memref_squeeze %dma_wait3A_109 : memref<1x32x768xf32, #tpu.memory_space<vmem>> -> memref<32x768xf32, #tpu.memory_space<vmem>>
    tpu.wait_dma2 semaphore(%arg11 : memref<!tpu.dma_semaphore, #tpu.memory_space<semaphore_mem>>) src(%dma_wait3A_110 : memref<32x768xf32, #tpu.memory_space<vmem>>) dst(%dma_wait3A_106 : memref<32x768xf32, #tpu.memory_space<hbm>>)
    %dma_start3A_111 = arith.constant 0 : i32
    %dma_start3A_112 = arith.constant 0 : i32
    %dma_start3A_113 = arith.constant 0 : i32
    %dma_start3A_114 = tpu.memref_slice %arg6[%dma_start3A_111, %dma_start3A_112, %dma_start3A_113] : memref<4x32x768xf32, #tpu.memory_space<vmem>> -> memref<1x32x768xf32, #tpu.memory_space<vmem>>
    %dma_start3A_115 = tpu.memref_squeeze %dma_start3A_114 : memref<1x32x768xf32, #tpu.memory_space<vmem>> -> memref<32x768xf32, #tpu.memory_space<vmem>>
    %dma_start3A_116 = arith.constant 128 : i32
    %dma_start3A_117 = tpu.memref_slice %arg5[%dma_start3A_116] : memref<512xi32, #tpu.memory_space<vmem>> -> memref<32xi32, #tpu.memory_space<vmem>>
    %dma_start3A_118 = arith.constant 0 : i32
    %dma_start3A_119 = arith.constant 0 : i32
    %dma_start3A_120 = tpu.memref_slice %arg3[%dma_start3A_118, %dma_start3A_119] : memref<100000x768xf32, #tpu.memory_space<hbm>> -> memref<100000x768xf32, #tpu.memory_space<hbm>>
    tpu.enqueue_indirect_dma source(%dma_start3A_120 : memref<100000x768xf32, #tpu.memory_space<hbm>>) target(%dma_start3A_115 : memref<32x768xf32, #tpu.memory_space<vmem>>) offsets(%dma_start3A_117 : memref<32xi32, #tpu.memory_space<vmem>>) semaphore(%arg7 : memref<!tpu.dma_semaphore, #tpu.memory_space<semaphore_mem>>)
    %dma_wait3A_121 = arith.constant 1 : i32
    %dma_wait3A_122 = arith.constant 0 : i32
    %dma_wait3A_123 = arith.constant 0 : i32
    %dma_wait3A_124 = tpu.memref_slice %arg6[%dma_wait3A_121, %dma_wait3A_122, %dma_wait3A_123] : memref<4x32x768xf32, #tpu.memory_space<vmem>> -> memref<1x32x768xf32, #tpu.memory_space<vmem>>
    %dma_wait3A_125 = tpu.memref_squeeze %dma_wait3A_124 : memref<1x32x768xf32, #tpu.memory_space<vmem>> -> memref<32x768xf32, #tpu.memory_space<vmem>>
    %dma_wait3A_126 = arith.constant 32 : i32
    %dma_wait3A_127 = tpu.memref_slice %arg5[%dma_wait3A_126] : memref<512xi32, #tpu.memory_space<vmem>> -> memref<32xi32, #tpu.memory_space<vmem>>
    %dma_wait3A_128 = arith.constant 0 : i32
    %dma_wait3A_129 = arith.constant 0 : i32
    %dma_wait3A_130 = tpu.memref_slice %arg3[%dma_wait3A_128, %dma_wait3A_129] : memref<100000x768xf32, #tpu.memory_space<hbm>> -> memref<100000x768xf32, #tpu.memory_space<hbm>>
    tpu.wait_indirect_dma semaphore(%arg8 : memref<!tpu.dma_semaphore, #tpu.memory_space<semaphore_mem>>) src(%dma_wait3A_130 : memref<100000x768xf32, #tpu.memory_space<hbm>>) dst(%dma_wait3A_125 : memref<32x768xf32, #tpu.memory_space<vmem>>)
    %add3A_131 = arith.constant 32 : i32
    %add3A_132 = arith.addi %mul3A_2, %add3A_131 : i32
    %dma_start3A_133 = arith.constant 1 : i32
    %dma_start3A_134 = arith.constant 0 : i32
    %dma_start3A_135 = arith.constant 0 : i32
    %dma_start3A_136 = tpu.memref_slice %arg6[%dma_start3A_133, %dma_start3A_134, %dma_start3A_135] : memref<4x32x768xf32, #tpu.memory_space<vmem>> -> memref<1x32x768xf32, #tpu.memory_space<vmem>>
    %dma_start3A_137 = tpu.memref_squeeze %dma_start3A_136 : memref<1x32x768xf32, #tpu.memory_space<vmem>> -> memref<32x768xf32, #tpu.memory_space<vmem>>
    %dma_start3A_138 = arith.constant 0 : i32
    %dma_start3A_139 = tpu.memref_slice %arg4[%add3A_132, %dma_start3A_138] : memref<16384x768xf32, #tpu.memory_space<hbm>> -> memref<32x768xf32, #tpu.memory_space<hbm>>
    %dma_start3A_140 = arith.constant 0 : i32
    %dma_start3A_141 = tpu.memref_slice %arg4[%add3A_132, %dma_start3A_140] : memref<16384x768xf32, #tpu.memory_space<hbm>> -> memref<32x768xf32, #tpu.memory_space<hbm>>
    %dma_start3A_142 = arith.constant 0 : i32
    %dma_start3A_143 = arith.constant 0 : i32
    %dma_start3A_144 = tpu.memref_slice %arg6[%dma_start3A_133, %dma_start3A_142, %dma_start3A_143] : memref<4x32x768xf32, #tpu.memory_space<vmem>> -> memref<1x32x768xf32, #tpu.memory_space<vmem>>
    %dma_start3A_145 = tpu.memref_squeeze %dma_start3A_144 : memref<1x32x768xf32, #tpu.memory_space<vmem>> -> memref<32x768xf32, #tpu.memory_space<vmem>>
    tpu.enqueue_dma source(%dma_start3A_145 : memref<32x768xf32, #tpu.memory_space<vmem>>) target(%dma_start3A_141 : memref<32x768xf32, #tpu.memory_space<hbm>>) target_semaphore(%arg12 : memref<!tpu.dma_semaphore, #tpu.memory_space<semaphore_mem>>)
    %dma_wait3A_146 = arith.constant 1 : i32
    %dma_wait3A_147 = arith.constant 0 : i32
    %dma_wait3A_148 = arith.constant 0 : i32
    %dma_wait3A_149 = tpu.memref_slice %arg6[%dma_wait3A_146, %dma_wait3A_147, %dma_wait3A_148] : memref<4x32x768xf32, #tpu.memory_space<vmem>> -> memref<1x32x768xf32, #tpu.memory_space<vmem>>
    %dma_wait3A_150 = tpu.memref_squeeze %dma_wait3A_149 : memref<1x32x768xf32, #tpu.memory_space<vmem>> -> memref<32x768xf32, #tpu.memory_space<vmem>>
    %dma_wait3A_151 = arith.constant 0 : i32
    %dma_wait3A_152 = tpu.memref_slice %arg4[%add3A_132, %dma_wait3A_151] : memref<16384x768xf32, #tpu.memory_space<hbm>> -> memref<32x768xf32, #tpu.memory_space<hbm>>
    %dma_wait3A_153 = arith.constant 0 : i32
    %dma_wait3A_154 = tpu.memref_slice %arg4[%add3A_132, %dma_wait3A_153] : memref<16384x768xf32, #tpu.memory_space<hbm>> -> memref<32x768xf32, #tpu.memory_space<hbm>>
    %dma_wait3A_155 = arith.constant 0 : i32
    %dma_wait3A_156 = arith.constant 0 : i32
    %dma_wait3A_157 = tpu.memref_slice %arg6[%dma_wait3A_146, %dma_wait3A_155, %dma_wait3A_156] : memref<4x32x768xf32, #tpu.memory_space<vmem>> -> memref<1x32x768xf32, #tpu.memory_space<vmem>>
    %dma_wait3A_158 = tpu.memref_squeeze %dma_wait3A_157 : memref<1x32x768xf32, #tpu.memory_space<vmem>> -> memref<32x768xf32, #tpu.memory_space<vmem>>
    tpu.wait_dma2 semaphore(%arg12 : memref<!tpu.dma_semaphore, #tpu.memory_space<semaphore_mem>>) src(%dma_wait3A_158 : memref<32x768xf32, #tpu.memory_space<vmem>>) dst(%dma_wait3A_154 : memref<32x768xf32, #tpu.memory_space<hbm>>)
    %dma_start3A_159 = arith.constant 1 : i32
    %dma_start3A_160 = arith.constant 0 : i32
    %dma_start3A_161 = arith.constant 0 : i32
    %dma_start3A_162 = tpu.memref_slice %arg6[%dma_start3A_159, %dma_start3A_160, %dma_start3A_161] : memref<4x32x768xf32, #tpu.memory_space<vmem>> -> memref<1x32x768xf32, #tpu.memory_space<vmem>>
    %dma_start3A_163 = tpu.memref_squeeze %dma_start3A_162 : memref<1x32x768xf32, #tpu.memory_space<vmem>> -> memref<32x768xf32, #tpu.memory_space<vmem>>
    %dma_start3A_164 = arith.constant 160 : i32
    %dma_start3A_165 = tpu.memref_slice %arg5[%dma_start3A_164] : memref<512xi32, #tpu.memory_space<vmem>> -> memref<32xi32, #tpu.memory_space<vmem>>
    %dma_start3A_166 = arith.constant 0 : i32
    %dma_start3A_167 = arith.constant 0 : i32
    %dma_start3A_168 = tpu.memref_slice %arg3[%dma_start3A_166, %dma_start3A_167] : memref<100000x768xf32, #tpu.memory_space<hbm>> -> memref<100000x768xf32, #tpu.memory_space<hbm>>
    tpu.enqueue_indirect_dma source(%dma_start3A_168 : memref<100000x768xf32, #tpu.memory_space<hbm>>) target(%dma_start3A_163 : memref<32x768xf32, #tpu.memory_space<vmem>>) offsets(%dma_start3A_165 : memref<32xi32, #tpu.memory_space<vmem>>) semaphore(%arg8 : memref<!tpu.dma_semaphore, #tpu.memory_space<semaphore_mem>>)
    %dma_wait3A_169 = arith.constant 2 : i32
    %dma_wait3A_170 = arith.constant 0 : i32
    %dma_wait3A_171 = arith.constant 0 : i32
    %dma_wait3A_172 = tpu.memref_slice %arg6[%dma_wait3A_169, %dma_wait3A_170, %dma_wait3A_171] : memref<4x32x768xf32, #tpu.memory_space<vmem>> -> memref<1x32x768xf32, #tpu.memory_space<vmem>>
    %dma_wait3A_173 = tpu.memref_squeeze %dma_wait3A_172 : memref<1x32x768xf32, #tpu.memory_space<vmem>> -> memref<32x768xf32, #tpu.memory_space<vmem>>
    %dma_wait3A_174 = arith.constant 64 : i32
    %dma_wait3A_175 = tpu.memref_slice %arg5[%dma_wait3A_174] : memref<512xi32, #tpu.memory_space<vmem>> -> memref<32xi32, #tpu.memory_space<vmem>>
    %dma_wait3A_176 = arith.constant 0 : i32
    %dma_wait3A_177 = arith.constant 0 : i32
    %dma_wait3A_178 = tpu.memref_slice %arg3[%dma_wait3A_176, %dma_wait3A_177] : memref<100000x768xf32, #tpu.memory_space<hbm>> -> memref<100000x768xf32, #tpu.memory_space<hbm>>
    tpu.wait_indirect_dma semaphore(%arg9 : memref<!tpu.dma_semaphore, #tpu.memory_space<semaphore_mem>>) src(%dma_wait3A_178 : memref<100000x768xf32, #tpu.memory_space<hbm>>) dst(%dma_wait3A_173 : memref<32x768xf32, #tpu.memory_space<vmem>>)
    %add3A_179 = arith.constant 64 : i32
    %add3A_180 = arith.addi %mul3A_2, %add3A_179 : i32
    %dma_start3A_181 = arith.constant 2 : i32
    %dma_start3A_182 = arith.constant 0 : i32
    %dma_start3A_183 = arith.constant 0 : i32
    %dma_start3A_184 = tpu.memref_slice %arg6[%dma_start3A_181, %dma_start3A_182, %dma_start3A_183] : memref<4x32x768xf32, #tpu.memory_space<vmem>> -> memref<1x32x768xf32, #tpu.memory_space<vmem>>
    %dma_start3A_185 = tpu.memref_squeeze %dma_start3A_184 : memref<1x32x768xf32, #tpu.memory_space<vmem>> -> memref<32x768xf32, #tpu.memory_space<vmem>>
    %dma_start3A_186 = arith.constant 0 : i32
    %dma_start3A_187 = tpu.memref_slice %arg4[%add3A_180, %dma_start3A_186] : memref<16384x768xf32, #tpu.memory_space<hbm>> -> memref<32x768xf32, #tpu.memory_space<hbm>>
    %dma_start3A_188 = arith.constant 0 : i32
    %dma_start3A_189 = tpu.memref_slice %arg4[%add3A_180, %dma_start3A_188] : memref<16384x768xf32, #tpu.memory_space<hbm>> -> memref<32x768xf32, #tpu.memory_space<hbm>>
    %dma_start3A_190 = arith.constant 0 : i32
    %dma_start3A_191 = arith.constant 0 : i32
    %dma_start3A_192 = tpu.memref_slice %arg6[%dma_start3A_181, %dma_start3A_190, %dma_start3A_191] : memref<4x32x768xf32, #tpu.memory_space<vmem>> -> memref<1x32x768xf32, #tpu.memory_space<vmem>>
    %dma_start3A_193 = tpu.memref_squeeze %dma_start3A_192 : memref<1x32x768xf32, #tpu.memory_space<vmem>> -> memref<32x768xf32, #tpu.memory_space<vmem>>
    tpu.enqueue_dma source(%dma_start3A_193 : memref<32x768xf32, #tpu.memory_space<vmem>>) target(%dma_start3A_189 : memref<32x768xf32, #tpu.memory_space<hbm>>) target_semaphore(%arg13 : memref<!tpu.dma_semaphore, #tpu.memory_space<semaphore_mem>>)
    %dma_wait3A_194 = arith.constant 2 : i32
    %dma_wait3A_195 = arith.constant 0 : i32
    %dma_wait3A_196 = arith.constant 0 : i32
    %dma_wait3A_197 = tpu.memref_slice %arg6[%dma_wait3A_194, %dma_wait3A_195, %dma_wait3A_196] : memref<4x32x768xf32, #tpu.memory_space<vmem>> -> memref<1x32x768xf32, #tpu.memory_space<vmem>>
    %dma_wait3A_198 = tpu.memref_squeeze %dma_wait3A_197 : memref<1x32x768xf32, #tpu.memory_space<vmem>> -> memref<32x768xf32, #tpu.memory_space<vmem>>
    %dma_wait3A_199 = arith.constant 0 : i32
    %dma_wait3A_200 = tpu.memref_slice %arg4[%add3A_180, %dma_wait3A_199] : memref<16384x768xf32, #tpu.memory_space<hbm>> -> memref<32x768xf32, #tpu.memory_space<hbm>>
    %dma_wait3A_201 = arith.constant 0 : i32
    %dma_wait3A_202 = tpu.memref_slice %arg4[%add3A_180, %dma_wait3A_201] : memref<16384x768xf32, #tpu.memory_space<hbm>> -> memref<32x768xf32, #tpu.memory_space<hbm>>
    %dma_wait3A_203 = arith.constant 0 : i32
    %dma_wait3A_204 = arith.constant 0 : i32
    %dma_wait3A_205 = tpu.memref_slice %arg6[%dma_wait3A_194, %dma_wait3A_203, %dma_wait3A_204] : memref<4x32x768xf32, #tpu.memory_space<vmem>> -> memref<1x32x768xf32, #tpu.memory_space<vmem>>
    %dma_wait3A_206 = tpu.memref_squeeze %dma_wait3A_205 : memref<1x32x768xf32, #tpu.memory_space<vmem>> -> memref<32x768xf32, #tpu.memory_space<vmem>>
    tpu.wait_dma2 semaphore(%arg13 : memref<!tpu.dma_semaphore, #tpu.memory_space<semaphore_mem>>) src(%dma_wait3A_206 : memref<32x768xf32, #tpu.memory_space<vmem>>) dst(%dma_wait3A_202 : memref<32x768xf32, #tpu.memory_space<hbm>>)
    %dma_start3A_207 = arith.constant 2 : i32
    %dma_start3A_208 = arith.constant 0 : i32
    %dma_start3A_209 = arith.constant 0 : i32
    %dma_start3A_210 = tpu.memref_slice %arg6[%dma_start3A_207, %dma_start3A_208, %dma_start3A_209] : memref<4x32x768xf32, #tpu.memory_space<vmem>> -> memref<1x32x768xf32, #tpu.memory_space<vmem>>
    %dma_start3A_211 = tpu.memref_squeeze %dma_start3A_210 : memref<1x32x768xf32, #tpu.memory_space<vmem>> -> memref<32x768xf32, #tpu.memory_space<vmem>>
    %dma_start3A_212 = arith.constant 192 : i32
    %dma_start3A_213 = tpu.memref_slice %arg5[%dma_start3A_212] : memref<512xi32, #tpu.memory_space<vmem>> -> memref<32xi32, #tpu.memory_space<vmem>>
    %dma_start3A_214 = arith.constant 0 : i32
    %dma_start3A_215 = arith.constant 0 : i32
    %dma_start3A_216 = tpu.memref_slice %arg3[%dma_start3A_214, %dma_start3A_215] : memref<100000x768xf32, #tpu.memory_space<hbm>> -> memref<100000x768xf32, #tpu.memory_space<hbm>>
    tpu.enqueue_indirect_dma source(%dma_start3A_216 : memref<100000x768xf32, #tpu.memory_space<hbm>>) target(%dma_start3A_211 : memref<32x768xf32, #tpu.memory_space<vmem>>) offsets(%dma_start3A_213 : memref<32xi32, #tpu.memory_space<vmem>>) semaphore(%arg9 : memref<!tpu.dma_semaphore, #tpu.memory_space<semaphore_mem>>)
    %dma_wait3A_217 = arith.constant 3 : i32
    %dma_wait3A_218 = arith.constant 0 : i32
    %dma_wait3A_219 = arith.constant 0 : i32
    %dma_wait3A_220 = tpu.memref_slice %arg6[%dma_wait3A_217, %dma_wait3A_218, %dma_wait3A_219] : memref<4x32x768xf32, #tpu.memory_space<vmem>> -> memref<1x32x768xf32, #tpu.memory_space<vmem>>
    %dma_wait3A_221 = tpu.memref_squeeze %dma_wait3A_220 : memref<1x32x768xf32, #tpu.memory_space<vmem>> -> memref<32x768xf32, #tpu.memory_space<vmem>>
    %dma_wait3A_222 = arith.constant 96 : i32
    %dma_wait3A_223 = tpu.memref_slice %arg5[%dma_wait3A_222] : memref<512xi32, #tpu.memory_space<vmem>> -> memref<32xi32, #tpu.memory_space<vmem>>
    %dma_wait3A_224 = arith.constant 0 : i32
    %dma_wait3A_225 = arith.constant 0 : i32
    %dma_wait3A_226 = tpu.memref_slice %arg3[%dma_wait3A_224, %dma_wait3A_225] : memref<100000x768xf32, #tpu.memory_space<hbm>> -> memref<100000x768xf32, #tpu.memory_space<hbm>>
    tpu.wait_indirect_dma semaphore(%arg10 : memref<!tpu.dma_semaphore, #tpu.memory_space<semaphore_mem>>) src(%dma_wait3A_226 : memref<100000x768xf32, #tpu.memory_space<hbm>>) dst(%dma_wait3A_221 : memref<32x768xf32, #tpu.memory_space<vmem>>)
    %add3A_227 = arith.constant 96 : i32
    %add3A_228 = arith.addi %mul3A_2, %add3A_227 : i32
    %dma_start3A_229 = arith.constant 3 : i32
    %dma_start3A_230 = arith.constant 0 : i32
    %dma_start3A_231 = arith.constant 0 : i32
    %dma_start3A_232 = tpu.memref_slice %arg6[%dma_start3A_229, %dma_start3A_230, %dma_start3A_231] : memref<4x32x768xf32, #tpu.memory_space<vmem>> -> memref<1x32x768xf32, #tpu.memory_space<vmem>>
    %dma_start3A_233 = tpu.memref_squeeze %dma_start3A_232 : memref<1x32x768xf32, #tpu.memory_space<vmem>> -> memref<32x768xf32, #tpu.memory_space<vmem>>
    %dma_start3A_234 = arith.constant 0 : i32
    %dma_start3A_235 = tpu.memref_slice %arg4[%add3A_228, %dma_start3A_234] : memref<16384x768xf32, #tpu.memory_space<hbm>> -> memref<32x768xf32, #tpu.memory_space<hbm>>
    %dma_start3A_236 = arith.constant 0 : i32
    %dma_start3A_237 = tpu.memref_slice %arg4[%add3A_228, %dma_start3A_236] : memref<16384x768xf32, #tpu.memory_space<hbm>> -> memref<32x768xf32, #tpu.memory_space<hbm>>
    %dma_start3A_238 = arith.constant 0 : i32
    %dma_start3A_239 = arith.constant 0 : i32
    %dma_start3A_240 = tpu.memref_slice %arg6[%dma_start3A_229, %dma_start3A_238, %dma_start3A_239] : memref<4x32x768xf32, #tpu.memory_space<vmem>> -> memref<1x32x768xf32, #tpu.memory_space<vmem>>
    %dma_start3A_241 = tpu.memref_squeeze %dma_start3A_240 : memref<1x32x768xf32, #tpu.memory_space<vmem>> -> memref<32x768xf32, #tpu.memory_space<vmem>>
    tpu.enqueue_dma source(%dma_start3A_241 : memref<32x768xf32, #tpu.memory_space<vmem>>) target(%dma_start3A_237 : memref<32x768xf32, #tpu.memory_space<hbm>>) target_semaphore(%arg14 : memref<!tpu.dma_semaphore, #tpu.memory_space<semaphore_mem>>)
    %dma_wait3A_242 = arith.constant 3 : i32
    %dma_wait3A_243 = arith.constant 0 : i32
    %dma_wait3A_244 = arith.constant 0 : i32
    %dma_wait3A_245 = tpu.memref_slice %arg6[%dma_wait3A_242, %dma_wait3A_243, %dma_wait3A_244] : memref<4x32x768xf32, #tpu.memory_space<vmem>> -> memref<1x32x768xf32, #tpu.memory_space<vmem>>
    %dma_wait3A_246 = tpu.memref_squeeze %dma_wait3A_245 : memref<1x32x768xf32, #tpu.memory_space<vmem>> -> memref<32x768xf32, #tpu.memory_space<vmem>>
    %dma_wait3A_247 = arith.constant 0 : i32
    %dma_wait3A_248 = tpu.memref_slice %arg4[%add3A_228, %dma_wait3A_247] : memref<16384x768xf32, #tpu.memory_space<hbm>> -> memref<32x768xf32, #tpu.memory_space<hbm>>
    %dma_wait3A_249 = arith.constant 0 : i32
    %dma_wait3A_250 = tpu.memref_slice %arg4[%add3A_228, %dma_wait3A_249] : memref<16384x768xf32, #tpu.memory_space<hbm>> -> memref<32x768xf32, #tpu.memory_space<hbm>>
    %dma_wait3A_251 = arith.constant 0 : i32
    %dma_wait3A_252 = arith.constant 0 : i32
    %dma_wait3A_253 = tpu.memref_slice %arg6[%dma_wait3A_242, %dma_wait3A_251, %dma_wait3A_252] : memref<4x32x768xf32, #tpu.memory_space<vmem>> -> memref<1x32x768xf32, #tpu.memory_space<vmem>>
    %dma_wait3A_254 = tpu.memref_squeeze %dma_wait3A_253 : memref<1x32x768xf32, #tpu.memory_space<vmem>> -> memref<32x768xf32, #tpu.memory_space<vmem>>
    tpu.wait_dma2 semaphore(%arg14 : memref<!tpu.dma_semaphore, #tpu.memory_space<semaphore_mem>>) src(%dma_wait3A_254 : memref<32x768xf32, #tpu.memory_space<vmem>>) dst(%dma_wait3A_250 : memref<32x768xf32, #tpu.memory_space<hbm>>)
    %dma_start3A_255 = arith.constant 3 : i32
    %dma_start3A_256 = arith.constant 0 : i32
    %dma_start3A_257 = arith.constant 0 : i32
    %dma_start3A_258 = tpu.memref_slice %arg6[%dma_start3A_255, %dma_start3A_256, %dma_start3A_257] : memref<4x32x768xf32, #tpu.memory_space<vmem>> -> memref<1x32x768xf32, #tpu.memory_space<vmem>>
    %dma_start3A_259 = tpu.memref_squeeze %dma_start3A_258 : memref<1x32x768xf32, #tpu.memory_space<vmem>> -> memref<32x768xf32, #tpu.memory_space<vmem>>
    %dma_start3A_260 = arith.constant 224 : i32
    %dma_start3A_261 = tpu.memref_slice %arg5[%dma_start3A_260] : memref<512xi32, #tpu.memory_space<vmem>> -> memref<32xi32, #tpu.memory_space<vmem>>
    %dma_start3A_262 = arith.constant 0 : i32
    %dma_start3A_263 = arith.constant 0 : i32
    %dma_start3A_264 = tpu.memref_slice %arg3[%dma_start3A_262, %dma_start3A_263] : memref<100000x768xf32, #tpu.memory_space<hbm>> -> memref<100000x768xf32, #tpu.memory_space<hbm>>
    tpu.enqueue_indirect_dma source(%dma_start3A_264 : memref<100000x768xf32, #tpu.memory_space<hbm>>) target(%dma_start3A_259 : memref<32x768xf32, #tpu.memory_space<vmem>>) offsets(%dma_start3A_261 : memref<32xi32, #tpu.memory_space<vmem>>) semaphore(%arg10 : memref<!tpu.dma_semaphore, #tpu.memory_space<semaphore_mem>>)
    %dma_wait3A_265 = arith.constant 0 : i32
    %dma_wait3A_266 = arith.constant 0 : i32
    %dma_wait3A_267 = arith.constant 0 : i32
    %dma_wait3A_268 = tpu.memref_slice %arg6[%dma_wait3A_265, %dma_wait3A_266, %dma_wait3A_267] : memref<4x32x768xf32, #tpu.memory_space<vmem>> -> memref<1x32x768xf32, #tpu.memory_space<vmem>>
    %dma_wait3A_269 = tpu.memref_squeeze %dma_wait3A_268 : memref<1x32x768xf32, #tpu.memory_space<vmem>> -> memref<32x768xf32, #tpu.memory_space<vmem>>
    %dma_wait3A_270 = arith.constant 128 : i32
    %dma_wait3A_271 = tpu.memref_slice %arg5[%dma_wait3A_270] : memref<512xi32, #tpu.memory_space<vmem>> -> memref<32xi32, #tpu.memory_space<vmem>>
    %dma_wait3A_272 = arith.constant 0 : i32
    %dma_wait3A_273 = arith.constant 0 : i32
    %dma_wait3A_274 = tpu.memref_slice %arg3[%dma_wait3A_272, %dma_wait3A_273] : memref<100000x768xf32, #tpu.memory_space<hbm>> -> memref<100000x768xf32, #tpu.memory_space<hbm>>
    tpu.wait_indirect_dma semaphore(%arg7 : memref<!tpu.dma_semaphore, #tpu.memory_space<semaphore_mem>>) src(%dma_wait3A_274 : memref<100000x768xf32, #tpu.memory_space<hbm>>) dst(%dma_wait3A_269 : memref<32x768xf32, #tpu.memory_space<vmem>>)
    %add3A_275 = arith.constant 128 : i32
    %add3A_276 = arith.addi %mul3A_2, %add3A_275 : i32
    %dma_start3A_277 = arith.constant 0 : i32
    %dma_start3A_278 = arith.constant 0 : i32
    %dma_start3A_279 = arith.constant 0 : i32
    %dma_start3A_280 = tpu.memref_slice %arg6[%dma_start3A_277, %dma_start3A_278, %dma_start3A_279] : memref<4x32x768xf32, #tpu.memory_space<vmem>> -> memref<1x32x768xf32, #tpu.memory_space<vmem>>
    %dma_start3A_281 = tpu.memref_squeeze %dma_start3A_280 : memref<1x32x768xf32, #tpu.memory_space<vmem>> -> memref<32x768xf32, #tpu.memory_space<vmem>>
    %dma_start3A_282 = arith.constant 0 : i32
    %dma_start3A_283 = tpu.memref_slice %arg4[%add3A_276, %dma_start3A_282] : memref<16384x768xf32, #tpu.memory_space<hbm>> -> memref<32x768xf32, #tpu.memory_space<hbm>>
    %dma_start3A_284 = arith.constant 0 : i32
    %dma_start3A_285 = tpu.memref_slice %arg4[%add3A_276, %dma_start3A_284] : memref<16384x768xf32, #tpu.memory_space<hbm>> -> memref<32x768xf32, #tpu.memory_space<hbm>>
    %dma_start3A_286 = arith.constant 0 : i32
    %dma_start3A_287 = arith.constant 0 : i32
    %dma_start3A_288 = tpu.memref_slice %arg6[%dma_start3A_277, %dma_start3A_286, %dma_start3A_287] : memref<4x32x768xf32, #tpu.memory_space<vmem>> -> memref<1x32x768xf32, #tpu.memory_space<vmem>>
    %dma_start3A_289 = tpu.memref_squeeze %dma_start3A_288 : memref<1x32x768xf32, #tpu.memory_space<vmem>> -> memref<32x768xf32, #tpu.memory_space<vmem>>
    tpu.enqueue_dma source(%dma_start3A_289 : memref<32x768xf32, #tpu.memory_space<vmem>>) target(%dma_start3A_285 : memref<32x768xf32, #tpu.memory_space<hbm>>) target_semaphore(%arg11 : memref<!tpu.dma_semaphore, #tpu.memory_space<semaphore_mem>>)
    %dma_wait3A_290 = arith.constant 0 : i32
    %dma_wait3A_291 = arith.constant 0 : i32
    %dma_wait3A_292 = arith.constant 0 : i32
    %dma_wait3A_293 = tpu.memref_slice %arg6[%dma_wait3A_290, %dma_wait3A_291, %dma_wait3A_292] : memref<4x32x768xf32, #tpu.memory_space<vmem>> -> memref<1x32x768xf32, #tpu.memory_space<vmem>>
    %dma_wait3A_294 = tpu.memref_squeeze %dma_wait3A_293 : memref<1x32x768xf32, #tpu.memory_space<vmem>> -> memref<32x768xf32, #tpu.memory_space<vmem>>
    %dma_wait3A_295 = arith.constant 0 : i32
    %dma_wait3A_296 = tpu.memref_slice %arg4[%add3A_276, %dma_wait3A_295] : memref<16384x768xf32, #tpu.memory_space<hbm>> -> memref<32x768xf32, #tpu.memory_space<hbm>>
    %dma_wait3A_297 = arith.constant 0 : i32
    %dma_wait3A_298 = tpu.memref_slice %arg4[%add3A_276, %dma_wait3A_297] : memref<16384x768xf32, #tpu.memory_space<hbm>> -> memref<32x768xf32, #tpu.memory_space<hbm>>
    %dma_wait3A_299 = arith.constant 0 : i32
    %dma_wait3A_300 = arith.constant 0 : i32
    %dma_wait3A_301 = tpu.memref_slice %arg6[%dma_wait3A_290, %dma_wait3A_299, %dma_wait3A_300] : memref<4x32x768xf32, #tpu.memory_space<vmem>> -> memref<1x32x768xf32, #tpu.memory_space<vmem>>
    %dma_wait3A_302 = tpu.memref_squeeze %dma_wait3A_301 : memref<1x32x768xf32, #tpu.memory_space<vmem>> -> memref<32x768xf32, #tpu.memory_space<vmem>>
    tpu.wait_dma2 semaphore(%arg11 : memref<!tpu.dma_semaphore, #tpu.memory_space<semaphore_mem>>) src(%dma_wait3A_302 : memref<32x768xf32, #tpu.memory_space<vmem>>) dst(%dma_wait3A_298 : memref<32x768xf32, #tpu.memory_space<hbm>>)
    %dma_start3A_303 = arith.constant 0 : i32
    %dma_start3A_304 = arith.constant 0 : i32
    %dma_start3A_305 = arith.constant 0 : i32
    %dma_start3A_306 = tpu.memref_slice %arg6[%dma_start3A_303, %dma_start3A_304, %dma_start3A_305] : memref<4x32x768xf32, #tpu.memory_space<vmem>> -> memref<1x32x768xf32, #tpu.memory_space<vmem>>
    %dma_start3A_307 = tpu.memref_squeeze %dma_start3A_306 : memref<1x32x768xf32, #tpu.memory_space<vmem>> -> memref<32x768xf32, #tpu.memory_space<vmem>>
    %dma_start3A_308 = arith.constant 256 : i32
    %dma_start3A_309 = tpu.memref_slice %arg5[%dma_start3A_308] : memref<512xi32, #tpu.memory_space<vmem>> -> memref<32xi32, #tpu.memory_space<vmem>>
    %dma_start3A_310 = arith.constant 0 : i32
    %dma_start3A_311 = arith.constant 0 : i32
    %dma_start3A_312 = tpu.memref_slice %arg3[%dma_start3A_310, %dma_start3A_311] : memref<100000x768xf32, #tpu.memory_space<hbm>> -> memref<100000x768xf32, #tpu.memory_space<hbm>>
    tpu.enqueue_indirect_dma source(%dma_start3A_312 : memref<100000x768xf32, #tpu.memory_space<hbm>>) target(%dma_start3A_307 : memref<32x768xf32, #tpu.memory_space<vmem>>) offsets(%dma_start3A_309 : memref<32xi32, #tpu.memory_space<vmem>>) semaphore(%arg7 : memref<!tpu.dma_semaphore, #tpu.memory_space<semaphore_mem>>)
    %dma_wait3A_313 = arith.constant 1 : i32
    %dma_wait3A_314 = arith.constant 0 : i32
    %dma_wait3A_315 = arith.constant 0 : i32
    %dma_wait3A_316 = tpu.memref_slice %arg6[%dma_wait3A_313, %dma_wait3A_314, %dma_wait3A_315] : memref<4x32x768xf32, #tpu.memory_space<vmem>> -> memref<1x32x768xf32, #tpu.memory_space<vmem>>
    %dma_wait3A_317 = tpu.memref_squeeze %dma_wait3A_316 : memref<1x32x768xf32, #tpu.memory_space<vmem>> -> memref<32x768xf32, #tpu.memory_space<vmem>>
    %dma_wait3A_318 = arith.constant 160 : i32
    %dma_wait3A_319 = tpu.memref_slice %arg5[%dma_wait3A_318] : memref<512xi32, #tpu.memory_space<vmem>> -> memref<32xi32, #tpu.memory_space<vmem>>
    %dma_wait3A_320 = arith.constant 0 : i32
    %dma_wait3A_321 = arith.constant 0 : i32
    %dma_wait3A_322 = tpu.memref_slice %arg3[%dma_wait3A_320, %dma_wait3A_321] : memref<100000x768xf32, #tpu.memory_space<hbm>> -> memref<100000x768xf32, #tpu.memory_space<hbm>>
    tpu.wait_indirect_dma semaphore(%arg8 : memref<!tpu.dma_semaphore, #tpu.memory_space<semaphore_mem>>) src(%dma_wait3A_322 : memref<100000x768xf32, #tpu.memory_space<hbm>>) dst(%dma_wait3A_317 : memref<32x768xf32, #tpu.memory_space<vmem>>)
    %add3A_323 = arith.constant 160 : i32
    %add3A_324 = arith.addi %mul3A_2, %add3A_323 : i32
    %dma_start3A_325 = arith.constant 1 : i32
    %dma_start3A_326 = arith.constant 0 : i32
    %dma_start3A_327 = arith.constant 0 : i32
    %dma_start3A_328 = tpu.memref_slice %arg6[%dma_start3A_325, %dma_start3A_326, %dma_start3A_327] : memref<4x32x768xf32, #tpu.memory_space<vmem>> -> memref<1x32x768xf32, #tpu.memory_space<vmem>>
    %dma_start3A_329 = tpu.memref_squeeze %dma_start3A_328 : memref<1x32x768xf32, #tpu.memory_space<vmem>> -> memref<32x768xf32, #tpu.memory_space<vmem>>
    %dma_start3A_330 = arith.constant 0 : i32
    %dma_start3A_331 = tpu.memref_slice %arg4[%add3A_324, %dma_start3A_330] : memref<16384x768xf32, #tpu.memory_space<hbm>> -> memref<32x768xf32, #tpu.memory_space<hbm>>
    %dma_start3A_332 = arith.constant 0 : i32
    %dma_start3A_333 = tpu.memref_slice %arg4[%add3A_324, %dma_start3A_332] : memref<16384x768xf32, #tpu.memory_space<hbm>> -> memref<32x768xf32, #tpu.memory_space<hbm>>
    %dma_start3A_334 = arith.constant 0 : i32
    %dma_start3A_335 = arith.constant 0 : i32
    %dma_start3A_336 = tpu.memref_slice %arg6[%dma_start3A_325, %dma_start3A_334, %dma_start3A_335] : memref<4x32x768xf32, #tpu.memory_space<vmem>> -> memref<1x32x768xf32, #tpu.memory_space<vmem>>
    %dma_start3A_337 = tpu.memref_squeeze %dma_start3A_336 : memref<1x32x768xf32, #tpu.memory_space<vmem>> -> memref<32x768xf32, #tpu.memory_space<vmem>>
    tpu.enqueue_dma source(%dma_start3A_337 : memref<32x768xf32, #tpu.memory_space<vmem>>) target(%dma_start3A_333 : memref<32x768xf32, #tpu.memory_space<hbm>>) target_semaphore(%arg12 : memref<!tpu.dma_semaphore, #tpu.memory_space<semaphore_mem>>)
    %dma_wait3A_338 = arith.constant 1 : i32
    %dma_wait3A_339 = arith.constant 0 : i32
    %dma_wait3A_340 = arith.constant 0 : i32
    %dma_wait3A_341 = tpu.memref_slice %arg6[%dma_wait3A_338, %dma_wait3A_339, %dma_wait3A_340] : memref<4x32x768xf32, #tpu.memory_space<vmem>> -> memref<1x32x768xf32, #tpu.memory_space<vmem>>
    %dma_wait3A_342 = tpu.memref_squeeze %dma_wait3A_341 : memref<1x32x768xf32, #tpu.memory_space<vmem>> -> memref<32x768xf32, #tpu.memory_space<vmem>>
    %dma_wait3A_343 = arith.constant 0 : i32
    %dma_wait3A_344 = tpu.memref_slice %arg4[%add3A_324, %dma_wait3A_343] : memref<16384x768xf32, #tpu.memory_space<hbm>> -> memref<32x768xf32, #tpu.memory_space<hbm>>
    %dma_wait3A_345 = arith.constant 0 : i32
    %dma_wait3A_346 = tpu.memref_slice %arg4[%add3A_324, %dma_wait3A_345] : memref<16384x768xf32, #tpu.memory_space<hbm>> -> memref<32x768xf32, #tpu.memory_space<hbm>>
    %dma_wait3A_347 = arith.constant 0 : i32
    %dma_wait3A_348 = arith.constant 0 : i32
    %dma_wait3A_349 = tpu.memref_slice %arg6[%dma_wait3A_338, %dma_wait3A_347, %dma_wait3A_348] : memref<4x32x768xf32, #tpu.memory_space<vmem>> -> memref<1x32x768xf32, #tpu.memory_space<vmem>>
    %dma_wait3A_350 = tpu.memref_squeeze %dma_wait3A_349 : memref<1x32x768xf32, #tpu.memory_space<vmem>> -> memref<32x768xf32, #tpu.memory_space<vmem>>
    tpu.wait_dma2 semaphore(%arg12 : memref<!tpu.dma_semaphore, #tpu.memory_space<semaphore_mem>>) src(%dma_wait3A_350 : memref<32x768xf32, #tpu.memory_space<vmem>>) dst(%dma_wait3A_346 : memref<32x768xf32, #tpu.memory_space<hbm>>)
    %dma_start3A_351 = arith.constant 1 : i32
    %dma_start3A_352 = arith.constant 0 : i32
    %dma_start3A_353 = arith.constant 0 : i32
    %dma_start3A_354 = tpu.memref_slice %arg6[%dma_start3A_351, %dma_start3A_352, %dma_start3A_353] : memref<4x32x768xf32, #tpu.memory_space<vmem>> -> memref<1x32x768xf32, #tpu.memory_space<vmem>>
    %dma_start3A_355 = tpu.memref_squeeze %dma_start3A_354 : memref<1x32x768xf32, #tpu.memory_space<vmem>> -> memref<32x768xf32, #tpu.memory_space<vmem>>
    %dma_start3A_356 = arith.constant 288 : i32
    %dma_start3A_357 = tpu.memref_slice %arg5[%dma_start3A_356] : memref<512xi32, #tpu.memory_space<vmem>> -> memref<32xi32, #tpu.memory_space<vmem>>
    %dma_start3A_358 = arith.constant 0 : i32
    %dma_start3A_359 = arith.constant 0 : i32
    %dma_start3A_360 = tpu.memref_slice %arg3[%dma_start3A_358, %dma_start3A_359] : memref<100000x768xf32, #tpu.memory_space<hbm>> -> memref<100000x768xf32, #tpu.memory_space<hbm>>
    tpu.enqueue_indirect_dma source(%dma_start3A_360 : memref<100000x768xf32, #tpu.memory_space<hbm>>) target(%dma_start3A_355 : memref<32x768xf32, #tpu.memory_space<vmem>>) offsets(%dma_start3A_357 : memref<32xi32, #tpu.memory_space<vmem>>) semaphore(%arg8 : memref<!tpu.dma_semaphore, #tpu.memory_space<semaphore_mem>>)
    %dma_wait3A_361 = arith.constant 2 : i32
    %dma_wait3A_362 = arith.constant 0 : i32
    %dma_wait3A_363 = arith.constant 0 : i32
    %dma_wait3A_364 = tpu.memref_slice %arg6[%dma_wait3A_361, %dma_wait3A_362, %dma_wait3A_363] : memref<4x32x768xf32, #tpu.memory_space<vmem>> -> memref<1x32x768xf32, #tpu.memory_space<vmem>>
    %dma_wait3A_365 = tpu.memref_squeeze %dma_wait3A_364 : memref<1x32x768xf32, #tpu.memory_space<vmem>> -> memref<32x768xf32, #tpu.memory_space<vmem>>
    %dma_wait3A_366 = arith.constant 192 : i32
    %dma_wait3A_367 = tpu.memref_slice %arg5[%dma_wait3A_366] : memref<512xi32, #tpu.memory_space<vmem>> -> memref<32xi32, #tpu.memory_space<vmem>>
    %dma_wait3A_368 = arith.constant 0 : i32
    %dma_wait3A_369 = arith.constant 0 : i32
    %dma_wait3A_370 = tpu.memref_slice %arg3[%dma_wait3A_368, %dma_wait3A_369] : memref<100000x768xf32, #tpu.memory_space<hbm>> -> memref<100000x768xf32, #tpu.memory_space<hbm>>
    tpu.wait_indirect_dma semaphore(%arg9 : memref<!tpu.dma_semaphore, #tpu.memory_space<semaphore_mem>>) src(%dma_wait3A_370 : memref<100000x768xf32, #tpu.memory_space<hbm>>) dst(%dma_wait3A_365 : memref<32x768xf32, #tpu.memory_space<vmem>>)
    %add3A_371 = arith.constant 192 : i32
    %add3A_372 = arith.addi %mul3A_2, %add3A_371 : i32
    %dma_start3A_373 = arith.constant 2 : i32
    %dma_start3A_374 = arith.constant 0 : i32
    %dma_start3A_375 = arith.constant 0 : i32
    %dma_start3A_376 = tpu.memref_slice %arg6[%dma_start3A_373, %dma_start3A_374, %dma_start3A_375] : memref<4x32x768xf32, #tpu.memory_space<vmem>> -> memref<1x32x768xf32, #tpu.memory_space<vmem>>
    %dma_start3A_377 = tpu.memref_squeeze %dma_start3A_376 : memref<1x32x768xf32, #tpu.memory_space<vmem>> -> memref<32x768xf32, #tpu.memory_space<vmem>>
    %dma_start3A_378 = arith.constant 0 : i32
    %dma_start3A_379 = tpu.memref_slice %arg4[%add3A_372, %dma_start3A_378] : memref<16384x768xf32, #tpu.memory_space<hbm>> -> memref<32x768xf32, #tpu.memory_space<hbm>>
    %dma_start3A_380 = arith.constant 0 : i32
    %dma_start3A_381 = tpu.memref_slice %arg4[%add3A_372, %dma_start3A_380] : memref<16384x768xf32, #tpu.memory_space<hbm>> -> memref<32x768xf32, #tpu.memory_space<hbm>>
    %dma_start3A_382 = arith.constant 0 : i32
    %dma_start3A_383 = arith.constant 0 : i32
    %dma_start3A_384 = tpu.memref_slice %arg6[%dma_start3A_373, %dma_start3A_382, %dma_start3A_383] : memref<4x32x768xf32, #tpu.memory_space<vmem>> -> memref<1x32x768xf32, #tpu.memory_space<vmem>>
    %dma_start3A_385 = tpu.memref_squeeze %dma_start3A_384 : memref<1x32x768xf32, #tpu.memory_space<vmem>> -> memref<32x768xf32, #tpu.memory_space<vmem>>
    tpu.enqueue_dma source(%dma_start3A_385 : memref<32x768xf32, #tpu.memory_space<vmem>>) target(%dma_start3A_381 : memref<32x768xf32, #tpu.memory_space<hbm>>) target_semaphore(%arg13 : memref<!tpu.dma_semaphore, #tpu.memory_space<semaphore_mem>>)
    %dma_wait3A_386 = arith.constant 2 : i32
    %dma_wait3A_387 = arith.constant 0 : i32
    %dma_wait3A_388 = arith.constant 0 : i32
    %dma_wait3A_389 = tpu.memref_slice %arg6[%dma_wait3A_386, %dma_wait3A_387, %dma_wait3A_388] : memref<4x32x768xf32, #tpu.memory_space<vmem>> -> memref<1x32x768xf32, #tpu.memory_space<vmem>>
    %dma_wait3A_390 = tpu.memref_squeeze %dma_wait3A_389 : memref<1x32x768xf32, #tpu.memory_space<vmem>> -> memref<32x768xf32, #tpu.memory_space<vmem>>
    %dma_wait3A_391 = arith.constant 0 : i32
    %dma_wait3A_392 = tpu.memref_slice %arg4[%add3A_372, %dma_wait3A_391] : memref<16384x768xf32, #tpu.memory_space<hbm>> -> memref<32x768xf32, #tpu.memory_space<hbm>>
    %dma_wait3A_393 = arith.constant 0 : i32
    %dma_wait3A_394 = tpu.memref_slice %arg4[%add3A_372, %dma_wait3A_393] : memref<16384x768xf32, #tpu.memory_space<hbm>> -> memref<32x768xf32, #tpu.memory_space<hbm>>
    %dma_wait3A_395 = arith.constant 0 : i32
    %dma_wait3A_396 = arith.constant 0 : i32
    %dma_wait3A_397 = tpu.memref_slice %arg6[%dma_wait3A_386, %dma_wait3A_395, %dma_wait3A_396] : memref<4x32x768xf32, #tpu.memory_space<vmem>> -> memref<1x32x768xf32, #tpu.memory_space<vmem>>
    %dma_wait3A_398 = tpu.memref_squeeze %dma_wait3A_397 : memref<1x32x768xf32, #tpu.memory_space<vmem>> -> memref<32x768xf32, #tpu.memory_space<vmem>>
    tpu.wait_dma2 semaphore(%arg13 : memref<!tpu.dma_semaphore, #tpu.memory_space<semaphore_mem>>) src(%dma_wait3A_398 : memref<32x768xf32, #tpu.memory_space<vmem>>) dst(%dma_wait3A_394 : memref<32x768xf32, #tpu.memory_space<hbm>>)
    %dma_start3A_399 = arith.constant 2 : i32
    %dma_start3A_400 = arith.constant 0 : i32
    %dma_start3A_401 = arith.constant 0 : i32
    %dma_start3A_402 = tpu.memref_slice %arg6[%dma_start3A_399, %dma_start3A_400, %dma_start3A_401] : memref<4x32x768xf32, #tpu.memory_space<vmem>> -> memref<1x32x768xf32, #tpu.memory_space<vmem>>
    %dma_start3A_403 = tpu.memref_squeeze %dma_start3A_402 : memref<1x32x768xf32, #tpu.memory_space<vmem>> -> memref<32x768xf32, #tpu.memory_space<vmem>>
    %dma_start3A_404 = arith.constant 320 : i32
    %dma_start3A_405 = tpu.memref_slice %arg5[%dma_start3A_404] : memref<512xi32, #tpu.memory_space<vmem>> -> memref<32xi32, #tpu.memory_space<vmem>>
    %dma_start3A_406 = arith.constant 0 : i32
    %dma_start3A_407 = arith.constant 0 : i32
    %dma_start3A_408 = tpu.memref_slice %arg3[%dma_start3A_406, %dma_start3A_407] : memref<100000x768xf32, #tpu.memory_space<hbm>> -> memref<100000x768xf32, #tpu.memory_space<hbm>>
    tpu.enqueue_indirect_dma source(%dma_start3A_408 : memref<100000x768xf32, #tpu.memory_space<hbm>>) target(%dma_start3A_403 : memref<32x768xf32, #tpu.memory_space<vmem>>) offsets(%dma_start3A_405 : memref<32xi32, #tpu.memory_space<vmem>>) semaphore(%arg9 : memref<!tpu.dma_semaphore, #tpu.memory_space<semaphore_mem>>)
    %dma_wait3A_409 = arith.constant 3 : i32
    %dma_wait3A_410 = arith.constant 0 : i32
    %dma_wait3A_411 = arith.constant 0 : i32
    %dma_wait3A_412 = tpu.memref_slice %arg6[%dma_wait3A_409, %dma_wait3A_410, %dma_wait3A_411] : memref<4x32x768xf32, #tpu.memory_space<vmem>> -> memref<1x32x768xf32, #tpu.memory_space<vmem>>
    %dma_wait3A_413 = tpu.memref_squeeze %dma_wait3A_412 : memref<1x32x768xf32, #tpu.memory_space<vmem>> -> memref<32x768xf32, #tpu.memory_space<vmem>>
    %dma_wait3A_414 = arith.constant 224 : i32
    %dma_wait3A_415 = tpu.memref_slice %arg5[%dma_wait3A_414] : memref<512xi32, #tpu.memory_space<vmem>> -> memref<32xi32, #tpu.memory_space<vmem>>
    %dma_wait3A_416 = arith.constant 0 : i32
    %dma_wait3A_417 = arith.constant 0 : i32
    %dma_wait3A_418 = tpu.memref_slice %arg3[%dma_wait3A_416, %dma_wait3A_417] : memref<100000x768xf32, #tpu.memory_space<hbm>> -> memref<100000x768xf32, #tpu.memory_space<hbm>>
    tpu.wait_indirect_dma semaphore(%arg10 : memref<!tpu.dma_semaphore, #tpu.memory_space<semaphore_mem>>) src(%dma_wait3A_418 : memref<100000x768xf32, #tpu.memory_space<hbm>>) dst(%dma_wait3A_413 : memref<32x768xf32, #tpu.memory_space<vmem>>)
    %add3A_419 = arith.constant 224 : i32
    %add3A_420 = arith.addi %mul3A_2, %add3A_419 : i32
    %dma_start3A_421 = arith.constant 3 : i32
    %dma_start3A_422 = arith.constant 0 : i32
    %dma_start3A_423 = arith.constant 0 : i32
    %dma_start3A_424 = tpu.memref_slice %arg6[%dma_start3A_421, %dma_start3A_422, %dma_start3A_423] : memref<4x32x768xf32, #tpu.memory_space<vmem>> -> memref<1x32x768xf32, #tpu.memory_space<vmem>>
    %dma_start3A_425 = tpu.memref_squeeze %dma_start3A_424 : memref<1x32x768xf32, #tpu.memory_space<vmem>> -> memref<32x768xf32, #tpu.memory_space<vmem>>
    %dma_start3A_426 = arith.constant 0 : i32
    %dma_start3A_427 = tpu.memref_slice %arg4[%add3A_420, %dma_start3A_426] : memref<16384x768xf32, #tpu.memory_space<hbm>> -> memref<32x768xf32, #tpu.memory_space<hbm>>
    %dma_start3A_428 = arith.constant 0 : i32
    %dma_start3A_429 = tpu.memref_slice %arg4[%add3A_420, %dma_start3A_428] : memref<16384x768xf32, #tpu.memory_space<hbm>> -> memref<32x768xf32, #tpu.memory_space<hbm>>
    %dma_start3A_430 = arith.constant 0 : i32
    %dma_start3A_431 = arith.constant 0 : i32
    %dma_start3A_432 = tpu.memref_slice %arg6[%dma_start3A_421, %dma_start3A_430, %dma_start3A_431] : memref<4x32x768xf32, #tpu.memory_space<vmem>> -> memref<1x32x768xf32, #tpu.memory_space<vmem>>
    %dma_start3A_433 = tpu.memref_squeeze %dma_start3A_432 : memref<1x32x768xf32, #tpu.memory_space<vmem>> -> memref<32x768xf32, #tpu.memory_space<vmem>>
    tpu.enqueue_dma source(%dma_start3A_433 : memref<32x768xf32, #tpu.memory_space<vmem>>) target(%dma_start3A_429 : memref<32x768xf32, #tpu.memory_space<hbm>>) target_semaphore(%arg14 : memref<!tpu.dma_semaphore, #tpu.memory_space<semaphore_mem>>)
    %dma_wait3A_434 = arith.constant 3 : i32
    %dma_wait3A_435 = arith.constant 0 : i32
    %dma_wait3A_436 = arith.constant 0 : i32
    %dma_wait3A_437 = tpu.memref_slice %arg6[%dma_wait3A_434, %dma_wait3A_435, %dma_wait3A_436] : memref<4x32x768xf32, #tpu.memory_space<vmem>> -> memref<1x32x768xf32, #tpu.memory_space<vmem>>
    %dma_wait3A_438 = tpu.memref_squeeze %dma_wait3A_437 : memref<1x32x768xf32, #tpu.memory_space<vmem>> -> memref<32x768xf32, #tpu.memory_space<vmem>>
    %dma_wait3A_439 = arith.constant 0 : i32
    %dma_wait3A_440 = tpu.memref_slice %arg4[%add3A_420, %dma_wait3A_439] : memref<16384x768xf32, #tpu.memory_space<hbm>> -> memref<32x768xf32, #tpu.memory_space<hbm>>
    %dma_wait3A_441 = arith.constant 0 : i32
    %dma_wait3A_442 = tpu.memref_slice %arg4[%add3A_420, %dma_wait3A_441] : memref<16384x768xf32, #tpu.memory_space<hbm>> -> memref<32x768xf32, #tpu.memory_space<hbm>>
    %dma_wait3A_443 = arith.constant 0 : i32
    %dma_wait3A_444 = arith.constant 0 : i32
    %dma_wait3A_445 = tpu.memref_slice %arg6[%dma_wait3A_434, %dma_wait3A_443, %dma_wait3A_444] : memref<4x32x768xf32, #tpu.memory_space<vmem>> -> memref<1x32x768xf32, #tpu.memory_space<vmem>>
    %dma_wait3A_446 = tpu.memref_squeeze %dma_wait3A_445 : memref<1x32x768xf32, #tpu.memory_space<vmem>> -> memref<32x768xf32, #tpu.memory_space<vmem>>
    tpu.wait_dma2 semaphore(%arg14 : memref<!tpu.dma_semaphore, #tpu.memory_space<semaphore_mem>>) src(%dma_wait3A_446 : memref<32x768xf32, #tpu.memory_space<vmem>>) dst(%dma_wait3A_442 : memref<32x768xf32, #tpu.memory_space<hbm>>)
    %dma_start3A_447 = arith.constant 3 : i32
    %dma_start3A_448 = arith.constant 0 : i32
    %dma_start3A_449 = arith.constant 0 : i32
    %dma_start3A_450 = tpu.memref_slice %arg6[%dma_start3A_447, %dma_start3A_448, %dma_start3A_449] : memref<4x32x768xf32, #tpu.memory_space<vmem>> -> memref<1x32x768xf32, #tpu.memory_space<vmem>>
    %dma_start3A_451 = tpu.memref_squeeze %dma_start3A_450 : memref<1x32x768xf32, #tpu.memory_space<vmem>> -> memref<32x768xf32, #tpu.memory_space<vmem>>
    %dma_start3A_452 = arith.constant 352 : i32
    %dma_start3A_453 = tpu.memref_slice %arg5[%dma_start3A_452] : memref<512xi32, #tpu.memory_space<vmem>> -> memref<32xi32, #tpu.memory_space<vmem>>
    %dma_start3A_454 = arith.constant 0 : i32
    %dma_start3A_455 = arith.constant 0 : i32
    %dma_start3A_456 = tpu.memref_slice %arg3[%dma_start3A_454, %dma_start3A_455] : memref<100000x768xf32, #tpu.memory_space<hbm>> -> memref<100000x768xf32, #tpu.memory_space<hbm>>
    tpu.enqueue_indirect_dma source(%dma_start3A_456 : memref<100000x768xf32, #tpu.memory_space<hbm>>) target(%dma_start3A_451 : memref<32x768xf32, #tpu.memory_space<vmem>>) offsets(%dma_start3A_453 : memref<32xi32, #tpu.memory_space<vmem>>) semaphore(%arg10 : memref<!tpu.dma_semaphore, #tpu.memory_space<semaphore_mem>>)
    %dma_wait3A_457 = arith.constant 0 : i32
    %dma_wait3A_458 = arith.constant 0 : i32
    %dma_wait3A_459 = arith.constant 0 : i32
    %dma_wait3A_460 = tpu.memref_slice %arg6[%dma_wait3A_457, %dma_wait3A_458, %dma_wait3A_459] : memref<4x32x768xf32, #tpu.memory_space<vmem>> -> memref<1x32x768xf32, #tpu.memory_space<vmem>>
    %dma_wait3A_461 = tpu.memref_squeeze %dma_wait3A_460 : memref<1x32x768xf32, #tpu.memory_space<vmem>> -> memref<32x768xf32, #tpu.memory_space<vmem>>
    %dma_wait3A_462 = arith.constant 256 : i32
    %dma_wait3A_463 = tpu.memref_slice %arg5[%dma_wait3A_462] : memref<512xi32, #tpu.memory_space<vmem>> -> memref<32xi32, #tpu.memory_space<vmem>>
    %dma_wait3A_464 = arith.constant 0 : i32
    %dma_wait3A_465 = arith.constant 0 : i32
    %dma_wait3A_466 = tpu.memref_slice %arg3[%dma_wait3A_464, %dma_wait3A_465] : memref<100000x768xf32, #tpu.memory_space<hbm>> -> memref<100000x768xf32, #tpu.memory_space<hbm>>
    tpu.wait_indirect_dma semaphore(%arg7 : memref<!tpu.dma_semaphore, #tpu.memory_space<semaphore_mem>>) src(%dma_wait3A_466 : memref<100000x768xf32, #tpu.memory_space<hbm>>) dst(%dma_wait3A_461 : memref<32x768xf32, #tpu.memory_space<vmem>>)
    %add3A_467 = arith.constant 256 : i32
    %add3A_468 = arith.addi %mul3A_2, %add3A_467 : i32
    %dma_start3A_469 = arith.constant 0 : i32
    %dma_start3A_470 = arith.constant 0 : i32
    %dma_start3A_471 = arith.constant 0 : i32
    %dma_start3A_472 = tpu.memref_slice %arg6[%dma_start3A_469, %dma_start3A_470, %dma_start3A_471] : memref<4x32x768xf32, #tpu.memory_space<vmem>> -> memref<1x32x768xf32, #tpu.memory_space<vmem>>
    %dma_start3A_473 = tpu.memref_squeeze %dma_start3A_472 : memref<1x32x768xf32, #tpu.memory_space<vmem>> -> memref<32x768xf32, #tpu.memory_space<vmem>>
    %dma_start3A_474 = arith.constant 0 : i32
    %dma_start3A_475 = tpu.memref_slice %arg4[%add3A_468, %dma_start3A_474] : memref<16384x768xf32, #tpu.memory_space<hbm>> -> memref<32x768xf32, #tpu.memory_space<hbm>>
    %dma_start3A_476 = arith.constant 0 : i32
    %dma_start3A_477 = tpu.memref_slice %arg4[%add3A_468, %dma_start3A_476] : memref<16384x768xf32, #tpu.memory_space<hbm>> -> memref<32x768xf32, #tpu.memory_space<hbm>>
    %dma_start3A_478 = arith.constant 0 : i32
    %dma_start3A_479 = arith.constant 0 : i32
    %dma_start3A_480 = tpu.memref_slice %arg6[%dma_start3A_469, %dma_start3A_478, %dma_start3A_479] : memref<4x32x768xf32, #tpu.memory_space<vmem>> -> memref<1x32x768xf32, #tpu.memory_space<vmem>>
    %dma_start3A_481 = tpu.memref_squeeze %dma_start3A_480 : memref<1x32x768xf32, #tpu.memory_space<vmem>> -> memref<32x768xf32, #tpu.memory_space<vmem>>
    tpu.enqueue_dma source(%dma_start3A_481 : memref<32x768xf32, #tpu.memory_space<vmem>>) target(%dma_start3A_477 : memref<32x768xf32, #tpu.memory_space<hbm>>) target_semaphore(%arg11 : memref<!tpu.dma_semaphore, #tpu.memory_space<semaphore_mem>>)
    %dma_wait3A_482 = arith.constant 0 : i32
    %dma_wait3A_483 = arith.constant 0 : i32
    %dma_wait3A_484 = arith.constant 0 : i32
    %dma_wait3A_485 = tpu.memref_slice %arg6[%dma_wait3A_482, %dma_wait3A_483, %dma_wait3A_484] : memref<4x32x768xf32, #tpu.memory_space<vmem>> -> memref<1x32x768xf32, #tpu.memory_space<vmem>>
    %dma_wait3A_486 = tpu.memref_squeeze %dma_wait3A_485 : memref<1x32x768xf32, #tpu.memory_space<vmem>> -> memref<32x768xf32, #tpu.memory_space<vmem>>
    %dma_wait3A_487 = arith.constant 0 : i32
    %dma_wait3A_488 = tpu.memref_slice %arg4[%add3A_468, %dma_wait3A_487] : memref<16384x768xf32, #tpu.memory_space<hbm>> -> memref<32x768xf32, #tpu.memory_space<hbm>>
    %dma_wait3A_489 = arith.constant 0 : i32
    %dma_wait3A_490 = tpu.memref_slice %arg4[%add3A_468, %dma_wait3A_489] : memref<16384x768xf32, #tpu.memory_space<hbm>> -> memref<32x768xf32, #tpu.memory_space<hbm>>
    %dma_wait3A_491 = arith.constant 0 : i32
    %dma_wait3A_492 = arith.constant 0 : i32
    %dma_wait3A_493 = tpu.memref_slice %arg6[%dma_wait3A_482, %dma_wait3A_491, %dma_wait3A_492] : memref<4x32x768xf32, #tpu.memory_space<vmem>> -> memref<1x32x768xf32, #tpu.memory_space<vmem>>
    %dma_wait3A_494 = tpu.memref_squeeze %dma_wait3A_493 : memref<1x32x768xf32, #tpu.memory_space<vmem>> -> memref<32x768xf32, #tpu.memory_space<vmem>>
    tpu.wait_dma2 semaphore(%arg11 : memref<!tpu.dma_semaphore, #tpu.memory_space<semaphore_mem>>) src(%dma_wait3A_494 : memref<32x768xf32, #tpu.memory_space<vmem>>) dst(%dma_wait3A_490 : memref<32x768xf32, #tpu.memory_space<hbm>>)
    %dma_start3A_495 = arith.constant 0 : i32
    %dma_start3A_496 = arith.constant 0 : i32
    %dma_start3A_497 = arith.constant 0 : i32
    %dma_start3A_498 = tpu.memref_slice %arg6[%dma_start3A_495, %dma_start3A_496, %dma_start3A_497] : memref<4x32x768xf32, #tpu.memory_space<vmem>> -> memref<1x32x768xf32, #tpu.memory_space<vmem>>
    %dma_start3A_499 = tpu.memref_squeeze %dma_start3A_498 : memref<1x32x768xf32, #tpu.memory_space<vmem>> -> memref<32x768xf32, #tpu.memory_space<vmem>>
    %dma_start3A_500 = arith.constant 384 : i32
    %dma_start3A_501 = tpu.memref_slice %arg5[%dma_start3A_500] : memref<512xi32, #tpu.memory_space<vmem>> -> memref<32xi32, #tpu.memory_space<vmem>>
    %dma_start3A_502 = arith.constant 0 : i32
    %dma_start3A_503 = arith.constant 0 : i32
    %dma_start3A_504 = tpu.memref_slice %arg3[%dma_start3A_502, %dma_start3A_503] : memref<100000x768xf32, #tpu.memory_space<hbm>> -> memref<100000x768xf32, #tpu.memory_space<hbm>>
    tpu.enqueue_indirect_dma source(%dma_start3A_504 : memref<100000x768xf32, #tpu.memory_space<hbm>>) target(%dma_start3A_499 : memref<32x768xf32, #tpu.memory_space<vmem>>) offsets(%dma_start3A_501 : memref<32xi32, #tpu.memory_space<vmem>>) semaphore(%arg7 : memref<!tpu.dma_semaphore, #tpu.memory_space<semaphore_mem>>)
    %dma_wait3A_505 = arith.constant 1 : i32
    %dma_wait3A_506 = arith.constant 0 : i32
    %dma_wait3A_507 = arith.constant 0 : i32
    %dma_wait3A_508 = tpu.memref_slice %arg6[%dma_wait3A_505, %dma_wait3A_506, %dma_wait3A_507] : memref<4x32x768xf32, #tpu.memory_space<vmem>> -> memref<1x32x768xf32, #tpu.memory_space<vmem>>
    %dma_wait3A_509 = tpu.memref_squeeze %dma_wait3A_508 : memref<1x32x768xf32, #tpu.memory_space<vmem>> -> memref<32x768xf32, #tpu.memory_space<vmem>>
    %dma_wait3A_510 = arith.constant 288 : i32
    %dma_wait3A_511 = tpu.memref_slice %arg5[%dma_wait3A_510] : memref<512xi32, #tpu.memory_space<vmem>> -> memref<32xi32, #tpu.memory_space<vmem>>
    %dma_wait3A_512 = arith.constant 0 : i32
    %dma_wait3A_513 = arith.constant 0 : i32
    %dma_wait3A_514 = tpu.memref_slice %arg3[%dma_wait3A_512, %dma_wait3A_513] : memref<100000x768xf32, #tpu.memory_space<hbm>> -> memref<100000x768xf32, #tpu.memory_space<hbm>>
    tpu.wait_indirect_dma semaphore(%arg8 : memref<!tpu.dma_semaphore, #tpu.memory_space<semaphore_mem>>) src(%dma_wait3A_514 : memref<100000x768xf32, #tpu.memory_space<hbm>>) dst(%dma_wait3A_509 : memref<32x768xf32, #tpu.memory_space<vmem>>)
    %add3A_515 = arith.constant 288 : i32
    %add3A_516 = arith.addi %mul3A_2, %add3A_515 : i32
    %dma_start3A_517 = arith.constant 1 : i32
    %dma_start3A_518 = arith.constant 0 : i32
    %dma_start3A_519 = arith.constant 0 : i32
    %dma_start3A_520 = tpu.memref_slice %arg6[%dma_start3A_517, %dma_start3A_518, %dma_start3A_519] : memref<4x32x768xf32, #tpu.memory_space<vmem>> -> memref<1x32x768xf32, #tpu.memory_space<vmem>>
    %dma_start3A_521 = tpu.memref_squeeze %dma_start3A_520 : memref<1x32x768xf32, #tpu.memory_space<vmem>> -> memref<32x768xf32, #tpu.memory_space<vmem>>
    %dma_start3A_522 = arith.constant 0 : i32
    %dma_start3A_523 = tpu.memref_slice %arg4[%add3A_516, %dma_start3A_522] : memref<16384x768xf32, #tpu.memory_space<hbm>> -> memref<32x768xf32, #tpu.memory_space<hbm>>
    %dma_start3A_524 = arith.constant 0 : i32
    %dma_start3A_525 = tpu.memref_slice %arg4[%add3A_516, %dma_start3A_524] : memref<16384x768xf32, #tpu.memory_space<hbm>> -> memref<32x768xf32, #tpu.memory_space<hbm>>
    %dma_start3A_526 = arith.constant 0 : i32
    %dma_start3A_527 = arith.constant 0 : i32
    %dma_start3A_528 = tpu.memref_slice %arg6[%dma_start3A_517, %dma_start3A_526, %dma_start3A_527] : memref<4x32x768xf32, #tpu.memory_space<vmem>> -> memref<1x32x768xf32, #tpu.memory_space<vmem>>
    %dma_start3A_529 = tpu.memref_squeeze %dma_start3A_528 : memref<1x32x768xf32, #tpu.memory_space<vmem>> -> memref<32x768xf32, #tpu.memory_space<vmem>>
    tpu.enqueue_dma source(%dma_start3A_529 : memref<32x768xf32, #tpu.memory_space<vmem>>) target(%dma_start3A_525 : memref<32x768xf32, #tpu.memory_space<hbm>>) target_semaphore(%arg12 : memref<!tpu.dma_semaphore, #tpu.memory_space<semaphore_mem>>)
    %dma_wait3A_530 = arith.constant 1 : i32
    %dma_wait3A_531 = arith.constant 0 : i32
    %dma_wait3A_532 = arith.constant 0 : i32
    %dma_wait3A_533 = tpu.memref_slice %arg6[%dma_wait3A_530, %dma_wait3A_531, %dma_wait3A_532] : memref<4x32x768xf32, #tpu.memory_space<vmem>> -> memref<1x32x768xf32, #tpu.memory_space<vmem>>
    %dma_wait3A_534 = tpu.memref_squeeze %dma_wait3A_533 : memref<1x32x768xf32, #tpu.memory_space<vmem>> -> memref<32x768xf32, #tpu.memory_space<vmem>>
    %dma_wait3A_535 = arith.constant 0 : i32
    %dma_wait3A_536 = tpu.memref_slice %arg4[%add3A_516, %dma_wait3A_535] : memref<16384x768xf32, #tpu.memory_space<hbm>> -> memref<32x768xf32, #tpu.memory_space<hbm>>
    %dma_wait3A_537 = arith.constant 0 : i32
    %dma_wait3A_538 = tpu.memref_slice %arg4[%add3A_516, %dma_wait3A_537] : memref<16384x768xf32, #tpu.memory_space<hbm>> -> memref<32x768xf32, #tpu.memory_space<hbm>>
    %dma_wait3A_539 = arith.constant 0 : i32
    %dma_wait3A_540 = arith.constant 0 : i32
    %dma_wait3A_541 = tpu.memref_slice %arg6[%dma_wait3A_530, %dma_wait3A_539, %dma_wait3A_540] : memref<4x32x768xf32, #tpu.memory_space<vmem>> -> memref<1x32x768xf32, #tpu.memory_space<vmem>>
    %dma_wait3A_542 = tpu.memref_squeeze %dma_wait3A_541 : memref<1x32x768xf32, #tpu.memory_space<vmem>> -> memref<32x768xf32, #tpu.memory_space<vmem>>
    tpu.wait_dma2 semaphore(%arg12 : memref<!tpu.dma_semaphore, #tpu.memory_space<semaphore_mem>>) src(%dma_wait3A_542 : memref<32x768xf32, #tpu.memory_space<vmem>>) dst(%dma_wait3A_538 : memref<32x768xf32, #tpu.memory_space<hbm>>)
    %dma_start3A_543 = arith.constant 1 : i32
    %dma_start3A_544 = arith.constant 0 : i32
    %dma_start3A_545 = arith.constant 0 : i32
    %dma_start3A_546 = tpu.memref_slice %arg6[%dma_start3A_543, %dma_start3A_544, %dma_start3A_545] : memref<4x32x768xf32, #tpu.memory_space<vmem>> -> memref<1x32x768xf32, #tpu.memory_space<vmem>>
    %dma_start3A_547 = tpu.memref_squeeze %dma_start3A_546 : memref<1x32x768xf32, #tpu.memory_space<vmem>> -> memref<32x768xf32, #tpu.memory_space<vmem>>
    %dma_start3A_548 = arith.constant 416 : i32
    %dma_start3A_549 = tpu.memref_slice %arg5[%dma_start3A_548] : memref<512xi32, #tpu.memory_space<vmem>> -> memref<32xi32, #tpu.memory_space<vmem>>
    %dma_start3A_550 = arith.constant 0 : i32
    %dma_start3A_551 = arith.constant 0 : i32
    %dma_start3A_552 = tpu.memref_slice %arg3[%dma_start3A_550, %dma_start3A_551] : memref<100000x768xf32, #tpu.memory_space<hbm>> -> memref<100000x768xf32, #tpu.memory_space<hbm>>
    tpu.enqueue_indirect_dma source(%dma_start3A_552 : memref<100000x768xf32, #tpu.memory_space<hbm>>) target(%dma_start3A_547 : memref<32x768xf32, #tpu.memory_space<vmem>>) offsets(%dma_start3A_549 : memref<32xi32, #tpu.memory_space<vmem>>) semaphore(%arg8 : memref<!tpu.dma_semaphore, #tpu.memory_space<semaphore_mem>>)
    %dma_wait3A_553 = arith.constant 2 : i32
    %dma_wait3A_554 = arith.constant 0 : i32
    %dma_wait3A_555 = arith.constant 0 : i32
    %dma_wait3A_556 = tpu.memref_slice %arg6[%dma_wait3A_553, %dma_wait3A_554, %dma_wait3A_555] : memref<4x32x768xf32, #tpu.memory_space<vmem>> -> memref<1x32x768xf32, #tpu.memory_space<vmem>>
    %dma_wait3A_557 = tpu.memref_squeeze %dma_wait3A_556 : memref<1x32x768xf32, #tpu.memory_space<vmem>> -> memref<32x768xf32, #tpu.memory_space<vmem>>
    %dma_wait3A_558 = arith.constant 320 : i32
    %dma_wait3A_559 = tpu.memref_slice %arg5[%dma_wait3A_558] : memref<512xi32, #tpu.memory_space<vmem>> -> memref<32xi32, #tpu.memory_space<vmem>>
    %dma_wait3A_560 = arith.constant 0 : i32
    %dma_wait3A_561 = arith.constant 0 : i32
    %dma_wait3A_562 = tpu.memref_slice %arg3[%dma_wait3A_560, %dma_wait3A_561] : memref<100000x768xf32, #tpu.memory_space<hbm>> -> memref<100000x768xf32, #tpu.memory_space<hbm>>
    tpu.wait_indirect_dma semaphore(%arg9 : memref<!tpu.dma_semaphore, #tpu.memory_space<semaphore_mem>>) src(%dma_wait3A_562 : memref<100000x768xf32, #tpu.memory_space<hbm>>) dst(%dma_wait3A_557 : memref<32x768xf32, #tpu.memory_space<vmem>>)
    %add3A_563 = arith.constant 320 : i32
    %add3A_564 = arith.addi %mul3A_2, %add3A_563 : i32
    %dma_start3A_565 = arith.constant 2 : i32
    %dma_start3A_566 = arith.constant 0 : i32
    %dma_start3A_567 = arith.constant 0 : i32
    %dma_start3A_568 = tpu.memref_slice %arg6[%dma_start3A_565, %dma_start3A_566, %dma_start3A_567] : memref<4x32x768xf32, #tpu.memory_space<vmem>> -> memref<1x32x768xf32, #tpu.memory_space<vmem>>
    %dma_start3A_569 = tpu.memref_squeeze %dma_start3A_568 : memref<1x32x768xf32, #tpu.memory_space<vmem>> -> memref<32x768xf32, #tpu.memory_space<vmem>>
    %dma_start3A_570 = arith.constant 0 : i32
    %dma_start3A_571 = tpu.memref_slice %arg4[%add3A_564, %dma_start3A_570] : memref<16384x768xf32, #tpu.memory_space<hbm>> -> memref<32x768xf32, #tpu.memory_space<hbm>>
    %dma_start3A_572 = arith.constant 0 : i32
    %dma_start3A_573 = tpu.memref_slice %arg4[%add3A_564, %dma_start3A_572] : memref<16384x768xf32, #tpu.memory_space<hbm>> -> memref<32x768xf32, #tpu.memory_space<hbm>>
    %dma_start3A_574 = arith.constant 0 : i32
    %dma_start3A_575 = arith.constant 0 : i32
    %dma_start3A_576 = tpu.memref_slice %arg6[%dma_start3A_565, %dma_start3A_574, %dma_start3A_575] : memref<4x32x768xf32, #tpu.memory_space<vmem>> -> memref<1x32x768xf32, #tpu.memory_space<vmem>>
    %dma_start3A_577 = tpu.memref_squeeze %dma_start3A_576 : memref<1x32x768xf32, #tpu.memory_space<vmem>> -> memref<32x768xf32, #tpu.memory_space<vmem>>
    tpu.enqueue_dma source(%dma_start3A_577 : memref<32x768xf32, #tpu.memory_space<vmem>>) target(%dma_start3A_573 : memref<32x768xf32, #tpu.memory_space<hbm>>) target_semaphore(%arg13 : memref<!tpu.dma_semaphore, #tpu.memory_space<semaphore_mem>>)
    %dma_wait3A_578 = arith.constant 2 : i32
    %dma_wait3A_579 = arith.constant 0 : i32
    %dma_wait3A_580 = arith.constant 0 : i32
    %dma_wait3A_581 = tpu.memref_slice %arg6[%dma_wait3A_578, %dma_wait3A_579, %dma_wait3A_580] : memref<4x32x768xf32, #tpu.memory_space<vmem>> -> memref<1x32x768xf32, #tpu.memory_space<vmem>>
    %dma_wait3A_582 = tpu.memref_squeeze %dma_wait3A_581 : memref<1x32x768xf32, #tpu.memory_space<vmem>> -> memref<32x768xf32, #tpu.memory_space<vmem>>
    %dma_wait3A_583 = arith.constant 0 : i32
    %dma_wait3A_584 = tpu.memref_slice %arg4[%add3A_564, %dma_wait3A_583] : memref<16384x768xf32, #tpu.memory_space<hbm>> -> memref<32x768xf32, #tpu.memory_space<hbm>>
    %dma_wait3A_585 = arith.constant 0 : i32
    %dma_wait3A_586 = tpu.memref_slice %arg4[%add3A_564, %dma_wait3A_585] : memref<16384x768xf32, #tpu.memory_space<hbm>> -> memref<32x768xf32, #tpu.memory_space<hbm>>
    %dma_wait3A_587 = arith.constant 0 : i32
    %dma_wait3A_588 = arith.constant 0 : i32
    %dma_wait3A_589 = tpu.memref_slice %arg6[%dma_wait3A_578, %dma_wait3A_587, %dma_wait3A_588] : memref<4x32x768xf32, #tpu.memory_space<vmem>> -> memref<1x32x768xf32, #tpu.memory_space<vmem>>
    %dma_wait3A_590 = tpu.memref_squeeze %dma_wait3A_589 : memref<1x32x768xf32, #tpu.memory_space<vmem>> -> memref<32x768xf32, #tpu.memory_space<vmem>>
    tpu.wait_dma2 semaphore(%arg13 : memref<!tpu.dma_semaphore, #tpu.memory_space<semaphore_mem>>) src(%dma_wait3A_590 : memref<32x768xf32, #tpu.memory_space<vmem>>) dst(%dma_wait3A_586 : memref<32x768xf32, #tpu.memory_space<hbm>>)
    %dma_start3A_591 = arith.constant 2 : i32
    %dma_start3A_592 = arith.constant 0 : i32
    %dma_start3A_593 = arith.constant 0 : i32
    %dma_start3A_594 = tpu.memref_slice %arg6[%dma_start3A_591, %dma_start3A_592, %dma_start3A_593] : memref<4x32x768xf32, #tpu.memory_space<vmem>> -> memref<1x32x768xf32, #tpu.memory_space<vmem>>
    %dma_start3A_595 = tpu.memref_squeeze %dma_start3A_594 : memref<1x32x768xf32, #tpu.memory_space<vmem>> -> memref<32x768xf32, #tpu.memory_space<vmem>>
    %dma_start3A_596 = arith.constant 448 : i32
    %dma_start3A_597 = tpu.memref_slice %arg5[%dma_start3A_596] : memref<512xi32, #tpu.memory_space<vmem>> -> memref<32xi32, #tpu.memory_space<vmem>>
    %dma_start3A_598 = arith.constant 0 : i32
    %dma_start3A_599 = arith.constant 0 : i32
    %dma_start3A_600 = tpu.memref_slice %arg3[%dma_start3A_598, %dma_start3A_599] : memref<100000x768xf32, #tpu.memory_space<hbm>> -> memref<100000x768xf32, #tpu.memory_space<hbm>>
    tpu.enqueue_indirect_dma source(%dma_start3A_600 : memref<100000x768xf32, #tpu.memory_space<hbm>>) target(%dma_start3A_595 : memref<32x768xf32, #tpu.memory_space<vmem>>) offsets(%dma_start3A_597 : memref<32xi32, #tpu.memory_space<vmem>>) semaphore(%arg9 : memref<!tpu.dma_semaphore, #tpu.memory_space<semaphore_mem>>)
    %dma_wait3A_601 = arith.constant 3 : i32
    %dma_wait3A_602 = arith.constant 0 : i32
    %dma_wait3A_603 = arith.constant 0 : i32
    %dma_wait3A_604 = tpu.memref_slice %arg6[%dma_wait3A_601, %dma_wait3A_602, %dma_wait3A_603] : memref<4x32x768xf32, #tpu.memory_space<vmem>> -> memref<1x32x768xf32, #tpu.memory_space<vmem>>
    %dma_wait3A_605 = tpu.memref_squeeze %dma_wait3A_604 : memref<1x32x768xf32, #tpu.memory_space<vmem>> -> memref<32x768xf32, #tpu.memory_space<vmem>>
    %dma_wait3A_606 = arith.constant 352 : i32
    %dma_wait3A_607 = tpu.memref_slice %arg5[%dma_wait3A_606] : memref<512xi32, #tpu.memory_space<vmem>> -> memref<32xi32, #tpu.memory_space<vmem>>
    %dma_wait3A_608 = arith.constant 0 : i32
    %dma_wait3A_609 = arith.constant 0 : i32
    %dma_wait3A_610 = tpu.memref_slice %arg3[%dma_wait3A_608, %dma_wait3A_609] : memref<100000x768xf32, #tpu.memory_space<hbm>> -> memref<100000x768xf32, #tpu.memory_space<hbm>>
    tpu.wait_indirect_dma semaphore(%arg10 : memref<!tpu.dma_semaphore, #tpu.memory_space<semaphore_mem>>) src(%dma_wait3A_610 : memref<100000x768xf32, #tpu.memory_space<hbm>>) dst(%dma_wait3A_605 : memref<32x768xf32, #tpu.memory_space<vmem>>)
    %add3A_611 = arith.constant 352 : i32
    %add3A_612 = arith.addi %mul3A_2, %add3A_611 : i32
    %dma_start3A_613 = arith.constant 3 : i32
    %dma_start3A_614 = arith.constant 0 : i32
    %dma_start3A_615 = arith.constant 0 : i32
    %dma_start3A_616 = tpu.memref_slice %arg6[%dma_start3A_613, %dma_start3A_614, %dma_start3A_615] : memref<4x32x768xf32, #tpu.memory_space<vmem>> -> memref<1x32x768xf32, #tpu.memory_space<vmem>>
    %dma_start3A_617 = tpu.memref_squeeze %dma_start3A_616 : memref<1x32x768xf32, #tpu.memory_space<vmem>> -> memref<32x768xf32, #tpu.memory_space<vmem>>
    %dma_start3A_618 = arith.constant 0 : i32
    %dma_start3A_619 = tpu.memref_slice %arg4[%add3A_612, %dma_start3A_618] : memref<16384x768xf32, #tpu.memory_space<hbm>> -> memref<32x768xf32, #tpu.memory_space<hbm>>
    %dma_start3A_620 = arith.constant 0 : i32
    %dma_start3A_621 = tpu.memref_slice %arg4[%add3A_612, %dma_start3A_620] : memref<16384x768xf32, #tpu.memory_space<hbm>> -> memref<32x768xf32, #tpu.memory_space<hbm>>
    %dma_start3A_622 = arith.constant 0 : i32
    %dma_start3A_623 = arith.constant 0 : i32
    %dma_start3A_624 = tpu.memref_slice %arg6[%dma_start3A_613, %dma_start3A_622, %dma_start3A_623] : memref<4x32x768xf32, #tpu.memory_space<vmem>> -> memref<1x32x768xf32, #tpu.memory_space<vmem>>
    %dma_start3A_625 = tpu.memref_squeeze %dma_start3A_624 : memref<1x32x768xf32, #tpu.memory_space<vmem>> -> memref<32x768xf32, #tpu.memory_space<vmem>>
    tpu.enqueue_dma source(%dma_start3A_625 : memref<32x768xf32, #tpu.memory_space<vmem>>) target(%dma_start3A_621 : memref<32x768xf32, #tpu.memory_space<hbm>>) target_semaphore(%arg14 : memref<!tpu.dma_semaphore, #tpu.memory_space<semaphore_mem>>)
    %dma_wait3A_626 = arith.constant 3 : i32
    %dma_wait3A_627 = arith.constant 0 : i32
    %dma_wait3A_628 = arith.constant 0 : i32
    %dma_wait3A_629 = tpu.memref_slice %arg6[%dma_wait3A_626, %dma_wait3A_627, %dma_wait3A_628] : memref<4x32x768xf32, #tpu.memory_space<vmem>> -> memref<1x32x768xf32, #tpu.memory_space<vmem>>
    %dma_wait3A_630 = tpu.memref_squeeze %dma_wait3A_629 : memref<1x32x768xf32, #tpu.memory_space<vmem>> -> memref<32x768xf32, #tpu.memory_space<vmem>>
    %dma_wait3A_631 = arith.constant 0 : i32
    %dma_wait3A_632 = tpu.memref_slice %arg4[%add3A_612, %dma_wait3A_631] : memref<16384x768xf32, #tpu.memory_space<hbm>> -> memref<32x768xf32, #tpu.memory_space<hbm>>
    %dma_wait3A_633 = arith.constant 0 : i32
    %dma_wait3A_634 = tpu.memref_slice %arg4[%add3A_612, %dma_wait3A_633] : memref<16384x768xf32, #tpu.memory_space<hbm>> -> memref<32x768xf32, #tpu.memory_space<hbm>>
    %dma_wait3A_635 = arith.constant 0 : i32
    %dma_wait3A_636 = arith.constant 0 : i32
    %dma_wait3A_637 = tpu.memref_slice %arg6[%dma_wait3A_626, %dma_wait3A_635, %dma_wait3A_636] : memref<4x32x768xf32, #tpu.memory_space<vmem>> -> memref<1x32x768xf32, #tpu.memory_space<vmem>>
    %dma_wait3A_638 = tpu.memref_squeeze %dma_wait3A_637 : memref<1x32x768xf32, #tpu.memory_space<vmem>> -> memref<32x768xf32, #tpu.memory_space<vmem>>
    tpu.wait_dma2 semaphore(%arg14 : memref<!tpu.dma_semaphore, #tpu.memory_space<semaphore_mem>>) src(%dma_wait3A_638 : memref<32x768xf32, #tpu.memory_space<vmem>>) dst(%dma_wait3A_634 : memref<32x768xf32, #tpu.memory_space<hbm>>)
    %dma_start3A_639 = arith.constant 3 : i32
    %dma_start3A_640 = arith.constant 0 : i32
    %dma_start3A_641 = arith.constant 0 : i32
    %dma_start3A_642 = tpu.memref_slice %arg6[%dma_start3A_639, %dma_start3A_640, %dma_start3A_641] : memref<4x32x768xf32, #tpu.memory_space<vmem>> -> memref<1x32x768xf32, #tpu.memory_space<vmem>>
    %dma_start3A_643 = tpu.memref_squeeze %dma_start3A_642 : memref<1x32x768xf32, #tpu.memory_space<vmem>> -> memref<32x768xf32, #tpu.memory_space<vmem>>
    %dma_start3A_644 = arith.constant 480 : i32
    %dma_start3A_645 = tpu.memref_slice %arg5[%dma_start3A_644] : memref<512xi32, #tpu.memory_space<vmem>> -> memref<32xi32, #tpu.memory_space<vmem>>
    %dma_start3A_646 = arith.constant 0 : i32
    %dma_start3A_647 = arith.constant 0 : i32
    %dma_start3A_648 = tpu.memref_slice %arg3[%dma_start3A_646, %dma_start3A_647] : memref<100000x768xf32, #tpu.memory_space<hbm>> -> memref<100000x768xf32, #tpu.memory_space<hbm>>
    tpu.enqueue_indirect_dma source(%dma_start3A_648 : memref<100000x768xf32, #tpu.memory_space<hbm>>) target(%dma_start3A_643 : memref<32x768xf32, #tpu.memory_space<vmem>>) offsets(%dma_start3A_645 : memref<32xi32, #tpu.memory_space<vmem>>) semaphore(%arg10 : memref<!tpu.dma_semaphore, #tpu.memory_space<semaphore_mem>>)
    %dma_wait3A_649 = arith.constant 0 : i32
    %dma_wait3A_650 = arith.constant 0 : i32
    %dma_wait3A_651 = arith.constant 0 : i32
    %dma_wait3A_652 = tpu.memref_slice %arg6[%dma_wait3A_649, %dma_wait3A_650, %dma_wait3A_651] : memref<4x32x768xf32, #tpu.memory_space<vmem>> -> memref<1x32x768xf32, #tpu.memory_space<vmem>>
    %dma_wait3A_653 = tpu.memref_squeeze %dma_wait3A_652 : memref<1x32x768xf32, #tpu.memory_space<vmem>> -> memref<32x768xf32, #tpu.memory_space<vmem>>
    %dma_wait3A_654 = arith.constant 384 : i32
    %dma_wait3A_655 = tpu.memref_slice %arg5[%dma_wait3A_654] : memref<512xi32, #tpu.memory_space<vmem>> -> memref<32xi32, #tpu.memory_space<vmem>>
    %dma_wait3A_656 = arith.constant 0 : i32
    %dma_wait3A_657 = arith.constant 0 : i32
    %dma_wait3A_658 = tpu.memref_slice %arg3[%dma_wait3A_656, %dma_wait3A_657] : memref<100000x768xf32, #tpu.memory_space<hbm>> -> memref<100000x768xf32, #tpu.memory_space<hbm>>
    tpu.wait_indirect_dma semaphore(%arg7 : memref<!tpu.dma_semaphore, #tpu.memory_space<semaphore_mem>>) src(%dma_wait3A_658 : memref<100000x768xf32, #tpu.memory_space<hbm>>) dst(%dma_wait3A_653 : memref<32x768xf32, #tpu.memory_space<vmem>>)
    %add3A_659 = arith.constant 384 : i32
    %add3A_660 = arith.addi %mul3A_2, %add3A_659 : i32
    %dma_start3A_661 = arith.constant 0 : i32
    %dma_start3A_662 = arith.constant 0 : i32
    %dma_start3A_663 = arith.constant 0 : i32
    %dma_start3A_664 = tpu.memref_slice %arg6[%dma_start3A_661, %dma_start3A_662, %dma_start3A_663] : memref<4x32x768xf32, #tpu.memory_space<vmem>> -> memref<1x32x768xf32, #tpu.memory_space<vmem>>
    %dma_start3A_665 = tpu.memref_squeeze %dma_start3A_664 : memref<1x32x768xf32, #tpu.memory_space<vmem>> -> memref<32x768xf32, #tpu.memory_space<vmem>>
    %dma_start3A_666 = arith.constant 0 : i32
    %dma_start3A_667 = tpu.memref_slice %arg4[%add3A_660, %dma_start3A_666] : memref<16384x768xf32, #tpu.memory_space<hbm>> -> memref<32x768xf32, #tpu.memory_space<hbm>>
    %dma_start3A_668 = arith.constant 0 : i32
    %dma_start3A_669 = tpu.memref_slice %arg4[%add3A_660, %dma_start3A_668] : memref<16384x768xf32, #tpu.memory_space<hbm>> -> memref<32x768xf32, #tpu.memory_space<hbm>>
    %dma_start3A_670 = arith.constant 0 : i32
    %dma_start3A_671 = arith.constant 0 : i32
    %dma_start3A_672 = tpu.memref_slice %arg6[%dma_start3A_661, %dma_start3A_670, %dma_start3A_671] : memref<4x32x768xf32, #tpu.memory_space<vmem>> -> memref<1x32x768xf32, #tpu.memory_space<vmem>>
    %dma_start3A_673 = tpu.memref_squeeze %dma_start3A_672 : memref<1x32x768xf32, #tpu.memory_space<vmem>> -> memref<32x768xf32, #tpu.memory_space<vmem>>
    tpu.enqueue_dma source(%dma_start3A_673 : memref<32x768xf32, #tpu.memory_space<vmem>>) target(%dma_start3A_669 : memref<32x768xf32, #tpu.memory_space<hbm>>) target_semaphore(%arg11 : memref<!tpu.dma_semaphore, #tpu.memory_space<semaphore_mem>>)
    %dma_wait3A_674 = arith.constant 1 : i32
    %dma_wait3A_675 = arith.constant 0 : i32
    %dma_wait3A_676 = arith.constant 0 : i32
    %dma_wait3A_677 = tpu.memref_slice %arg6[%dma_wait3A_674, %dma_wait3A_675, %dma_wait3A_676] : memref<4x32x768xf32, #tpu.memory_space<vmem>> -> memref<1x32x768xf32, #tpu.memory_space<vmem>>
    %dma_wait3A_678 = tpu.memref_squeeze %dma_wait3A_677 : memref<1x32x768xf32, #tpu.memory_space<vmem>> -> memref<32x768xf32, #tpu.memory_space<vmem>>
    %dma_wait3A_679 = arith.constant 416 : i32
    %dma_wait3A_680 = tpu.memref_slice %arg5[%dma_wait3A_679] : memref<512xi32, #tpu.memory_space<vmem>> -> memref<32xi32, #tpu.memory_space<vmem>>
    %dma_wait3A_681 = arith.constant 0 : i32
    %dma_wait3A_682 = arith.constant 0 : i32
    %dma_wait3A_683 = tpu.memref_slice %arg3[%dma_wait3A_681, %dma_wait3A_682] : memref<100000x768xf32, #tpu.memory_space<hbm>> -> memref<100000x768xf32, #tpu.memory_space<hbm>>
    tpu.wait_indirect_dma semaphore(%arg8 : memref<!tpu.dma_semaphore, #tpu.memory_space<semaphore_mem>>) src(%dma_wait3A_683 : memref<100000x768xf32, #tpu.memory_space<hbm>>) dst(%dma_wait3A_678 : memref<32x768xf32, #tpu.memory_space<vmem>>)
    %add3A_684 = arith.constant 416 : i32
    %add3A_685 = arith.addi %mul3A_2, %add3A_684 : i32
    %dma_start3A_686 = arith.constant 1 : i32
    %dma_start3A_687 = arith.constant 0 : i32
    %dma_start3A_688 = arith.constant 0 : i32
    %dma_start3A_689 = tpu.memref_slice %arg6[%dma_start3A_686, %dma_start3A_687, %dma_start3A_688] : memref<4x32x768xf32, #tpu.memory_space<vmem>> -> memref<1x32x768xf32, #tpu.memory_space<vmem>>
    %dma_start3A_690 = tpu.memref_squeeze %dma_start3A_689 : memref<1x32x768xf32, #tpu.memory_space<vmem>> -> memref<32x768xf32, #tpu.memory_space<vmem>>
    %dma_start3A_691 = arith.constant 0 : i32
    %dma_start3A_692 = tpu.memref_slice %arg4[%add3A_685, %dma_start3A_691] : memref<16384x768xf32, #tpu.memory_space<hbm>> -> memref<32x768xf32, #tpu.memory_space<hbm>>
    %dma_start3A_693 = arith.constant 0 : i32
    %dma_start3A_694 = tpu.memref_slice %arg4[%add3A_685, %dma_start3A_693] : memref<16384x768xf32, #tpu.memory_space<hbm>> -> memref<32x768xf32, #tpu.memory_space<hbm>>
    %dma_start3A_695 = arith.constant 0 : i32
    %dma_start3A_696 = arith.constant 0 : i32
    %dma_start3A_697 = tpu.memref_slice %arg6[%dma_start3A_686, %dma_start3A_695, %dma_start3A_696] : memref<4x32x768xf32, #tpu.memory_space<vmem>> -> memref<1x32x768xf32, #tpu.memory_space<vmem>>
    %dma_start3A_698 = tpu.memref_squeeze %dma_start3A_697 : memref<1x32x768xf32, #tpu.memory_space<vmem>> -> memref<32x768xf32, #tpu.memory_space<vmem>>
    tpu.enqueue_dma source(%dma_start3A_698 : memref<32x768xf32, #tpu.memory_space<vmem>>) target(%dma_start3A_694 : memref<32x768xf32, #tpu.memory_space<hbm>>) target_semaphore(%arg12 : memref<!tpu.dma_semaphore, #tpu.memory_space<semaphore_mem>>)
    %dma_wait3A_699 = arith.constant 2 : i32
    %dma_wait3A_700 = arith.constant 0 : i32
    %dma_wait3A_701 = arith.constant 0 : i32
    %dma_wait3A_702 = tpu.memref_slice %arg6[%dma_wait3A_699, %dma_wait3A_700, %dma_wait3A_701] : memref<4x32x768xf32, #tpu.memory_space<vmem>> -> memref<1x32x768xf32, #tpu.memory_space<vmem>>
    %dma_wait3A_703 = tpu.memref_squeeze %dma_wait3A_702 : memref<1x32x768xf32, #tpu.memory_space<vmem>> -> memref<32x768xf32, #tpu.memory_space<vmem>>
    %dma_wait3A_704 = arith.constant 448 : i32
    %dma_wait3A_705 = tpu.memref_slice %arg5[%dma_wait3A_704] : memref<512xi32, #tpu.memory_space<vmem>> -> memref<32xi32, #tpu.memory_space<vmem>>
    %dma_wait3A_706 = arith.constant 0 : i32
    %dma_wait3A_707 = arith.constant 0 : i32
    %dma_wait3A_708 = tpu.memref_slice %arg3[%dma_wait3A_706, %dma_wait3A_707] : memref<100000x768xf32, #tpu.memory_space<hbm>> -> memref<100000x768xf32, #tpu.memory_space<hbm>>
    tpu.wait_indirect_dma semaphore(%arg9 : memref<!tpu.dma_semaphore, #tpu.memory_space<semaphore_mem>>) src(%dma_wait3A_708 : memref<100000x768xf32, #tpu.memory_space<hbm>>) dst(%dma_wait3A_703 : memref<32x768xf32, #tpu.memory_space<vmem>>)
    %add3A_709 = arith.constant 448 : i32
    %add3A_710 = arith.addi %mul3A_2, %add3A_709 : i32
    %dma_start3A_711 = arith.constant 2 : i32
    %dma_start3A_712 = arith.constant 0 : i32
    %dma_start3A_713 = arith.constant 0 : i32
    %dma_start3A_714 = tpu.memref_slice %arg6[%dma_start3A_711, %dma_start3A_712, %dma_start3A_713] : memref<4x32x768xf32, #tpu.memory_space<vmem>> -> memref<1x32x768xf32, #tpu.memory_space<vmem>>
    %dma_start3A_715 = tpu.memref_squeeze %dma_start3A_714 : memref<1x32x768xf32, #tpu.memory_space<vmem>> -> memref<32x768xf32, #tpu.memory_space<vmem>>
    %dma_start3A_716 = arith.constant 0 : i32
    %dma_start3A_717 = tpu.memref_slice %arg4[%add3A_710, %dma_start3A_716] : memref<16384x768xf32, #tpu.memory_space<hbm>> -> memref<32x768xf32, #tpu.memory_space<hbm>>
    %dma_start3A_718 = arith.constant 0 : i32
    %dma_start3A_719 = tpu.memref_slice %arg4[%add3A_710, %dma_start3A_718] : memref<16384x768xf32, #tpu.memory_space<hbm>> -> memref<32x768xf32, #tpu.memory_space<hbm>>
    %dma_start3A_720 = arith.constant 0 : i32
    %dma_start3A_721 = arith.constant 0 : i32
    %dma_start3A_722 = tpu.memref_slice %arg6[%dma_start3A_711, %dma_start3A_720, %dma_start3A_721] : memref<4x32x768xf32, #tpu.memory_space<vmem>> -> memref<1x32x768xf32, #tpu.memory_space<vmem>>
    %dma_start3A_723 = tpu.memref_squeeze %dma_start3A_722 : memref<1x32x768xf32, #tpu.memory_space<vmem>> -> memref<32x768xf32, #tpu.memory_space<vmem>>
    tpu.enqueue_dma source(%dma_start3A_723 : memref<32x768xf32, #tpu.memory_space<vmem>>) target(%dma_start3A_719 : memref<32x768xf32, #tpu.memory_space<hbm>>) target_semaphore(%arg13 : memref<!tpu.dma_semaphore, #tpu.memory_space<semaphore_mem>>)
    %dma_wait3A_724 = arith.constant 3 : i32
    %dma_wait3A_725 = arith.constant 0 : i32
    %dma_wait3A_726 = arith.constant 0 : i32
    %dma_wait3A_727 = tpu.memref_slice %arg6[%dma_wait3A_724, %dma_wait3A_725, %dma_wait3A_726] : memref<4x32x768xf32, #tpu.memory_space<vmem>> -> memref<1x32x768xf32, #tpu.memory_space<vmem>>
    %dma_wait3A_728 = tpu.memref_squeeze %dma_wait3A_727 : memref<1x32x768xf32, #tpu.memory_space<vmem>> -> memref<32x768xf32, #tpu.memory_space<vmem>>
    %dma_wait3A_729 = arith.constant 480 : i32
    %dma_wait3A_730 = tpu.memref_slice %arg5[%dma_wait3A_729] : memref<512xi32, #tpu.memory_space<vmem>> -> memref<32xi32, #tpu.memory_space<vmem>>
    %dma_wait3A_731 = arith.constant 0 : i32
    %dma_wait3A_732 = arith.constant 0 : i32
    %dma_wait3A_733 = tpu.memref_slice %arg3[%dma_wait3A_731, %dma_wait3A_732] : memref<100000x768xf32, #tpu.memory_space<hbm>> -> memref<100000x768xf32, #tpu.memory_space<hbm>>
    tpu.wait_indirect_dma semaphore(%arg10 : memref<!tpu.dma_semaphore, #tpu.memory_space<semaphore_mem>>) src(%dma_wait3A_733 : memref<100000x768xf32, #tpu.memory_space<hbm>>) dst(%dma_wait3A_728 : memref<32x768xf32, #tpu.memory_space<vmem>>)
    %add3A_734 = arith.constant 480 : i32
    %add3A_735 = arith.addi %mul3A_2, %add3A_734 : i32
    %dma_start3A_736 = arith.constant 3 : i32
    %dma_start3A_737 = arith.constant 0 : i32
    %dma_start3A_738 = arith.constant 0 : i32
    %dma_start3A_739 = tpu.memref_slice %arg6[%dma_start3A_736, %dma_start3A_737, %dma_start3A_738] : memref<4x32x768xf32, #tpu.memory_space<vmem>> -> memref<1x32x768xf32, #tpu.memory_space<vmem>>
    %dma_start3A_740 = tpu.memref_squeeze %dma_start3A_739 : memref<1x32x768xf32, #tpu.memory_space<vmem>> -> memref<32x768xf32, #tpu.memory_space<vmem>>
    %dma_start3A_741 = arith.constant 0 : i32
    %dma_start3A_742 = tpu.memref_slice %arg4[%add3A_735, %dma_start3A_741] : memref<16384x768xf32, #tpu.memory_space<hbm>> -> memref<32x768xf32, #tpu.memory_space<hbm>>
    %dma_start3A_743 = arith.constant 0 : i32
    %dma_start3A_744 = tpu.memref_slice %arg4[%add3A_735, %dma_start3A_743] : memref<16384x768xf32, #tpu.memory_space<hbm>> -> memref<32x768xf32, #tpu.memory_space<hbm>>
    %dma_start3A_745 = arith.constant 0 : i32
    %dma_start3A_746 = arith.constant 0 : i32
    %dma_start3A_747 = tpu.memref_slice %arg6[%dma_start3A_736, %dma_start3A_745, %dma_start3A_746] : memref<4x32x768xf32, #tpu.memory_space<vmem>> -> memref<1x32x768xf32, #tpu.memory_space<vmem>>
    %dma_start3A_748 = tpu.memref_squeeze %dma_start3A_747 : memref<1x32x768xf32, #tpu.memory_space<vmem>> -> memref<32x768xf32, #tpu.memory_space<vmem>>
    tpu.enqueue_dma source(%dma_start3A_748 : memref<32x768xf32, #tpu.memory_space<vmem>>) target(%dma_start3A_744 : memref<32x768xf32, #tpu.memory_space<hbm>>) target_semaphore(%arg14 : memref<!tpu.dma_semaphore, #tpu.memory_space<semaphore_mem>>)
    %dma_wait3A_749 = arith.constant 0 : i32
    %dma_wait3A_750 = arith.constant 0 : i32
    %dma_wait3A_751 = arith.constant 0 : i32
    %dma_wait3A_752 = tpu.memref_slice %arg6[%dma_wait3A_749, %dma_wait3A_750, %dma_wait3A_751] : memref<4x32x768xf32, #tpu.memory_space<vmem>> -> memref<1x32x768xf32, #tpu.memory_space<vmem>>
    %dma_wait3A_753 = tpu.memref_squeeze %dma_wait3A_752 : memref<1x32x768xf32, #tpu.memory_space<vmem>> -> memref<32x768xf32, #tpu.memory_space<vmem>>
    %dma_wait3A_754 = arith.constant 0 : i32
    %dma_wait3A_755 = tpu.memref_slice %arg4[%add3A_660, %dma_wait3A_754] : memref<16384x768xf32, #tpu.memory_space<hbm>> -> memref<32x768xf32, #tpu.memory_space<hbm>>
    %dma_wait3A_756 = arith.constant 0 : i32
    %dma_wait3A_757 = tpu.memref_slice %arg4[%add3A_660, %dma_wait3A_756] : memref<16384x768xf32, #tpu.memory_space<hbm>> -> memref<32x768xf32, #tpu.memory_space<hbm>>
    %dma_wait3A_758 = arith.constant 0 : i32
    %dma_wait3A_759 = arith.constant 0 : i32
    %dma_wait3A_760 = tpu.memref_slice %arg6[%dma_wait3A_749, %dma_wait3A_758, %dma_wait3A_759] : memref<4x32x768xf32, #tpu.memory_space<vmem>> -> memref<1x32x768xf32, #tpu.memory_space<vmem>>
    %dma_wait3A_761 = tpu.memref_squeeze %dma_wait3A_760 : memref<1x32x768xf32, #tpu.memory_space<vmem>> -> memref<32x768xf32, #tpu.memory_space<vmem>>
    tpu.wait_dma2 semaphore(%arg11 : memref<!tpu.dma_semaphore, #tpu.memory_space<semaphore_mem>>) src(%dma_wait3A_761 : memref<32x768xf32, #tpu.memory_space<vmem>>) dst(%dma_wait3A_757 : memref<32x768xf32, #tpu.memory_space<hbm>>)
    %dma_wait3A_762 = arith.constant 1 : i32
    %dma_wait3A_763 = arith.constant 0 : i32
    %dma_wait3A_764 = arith.constant 0 : i32
    %dma_wait3A_765 = tpu.memref_slice %arg6[%dma_wait3A_762, %dma_wait3A_763, %dma_wait3A_764] : memref<4x32x768xf32, #tpu.memory_space<vmem>> -> memref<1x32x768xf32, #tpu.memory_space<vmem>>
    %dma_wait3A_766 = tpu.memref_squeeze %dma_wait3A_765 : memref<1x32x768xf32, #tpu.memory_space<vmem>> -> memref<32x768xf32, #tpu.memory_space<vmem>>
    %dma_wait3A_767 = arith.constant 0 : i32
    %dma_wait3A_768 = tpu.memref_slice %arg4[%add3A_685, %dma_wait3A_767] : memref<16384x768xf32, #tpu.memory_space<hbm>> -> memref<32x768xf32, #tpu.memory_space<hbm>>
    %dma_wait3A_769 = arith.constant 0 : i32
    %dma_wait3A_770 = tpu.memref_slice %arg4[%add3A_685, %dma_wait3A_769] : memref<16384x768xf32, #tpu.memory_space<hbm>> -> memref<32x768xf32, #tpu.memory_space<hbm>>
    %dma_wait3A_771 = arith.constant 0 : i32
    %dma_wait3A_772 = arith.constant 0 : i32
    %dma_wait3A_773 = tpu.memref_slice %arg6[%dma_wait3A_762, %dma_wait3A_771, %dma_wait3A_772] : memref<4x32x768xf32, #tpu.memory_space<vmem>> -> memref<1x32x768xf32, #tpu.memory_space<vmem>>
    %dma_wait3A_774 = tpu.memref_squeeze %dma_wait3A_773 : memref<1x32x768xf32, #tpu.memory_space<vmem>> -> memref<32x768xf32, #tpu.memory_space<vmem>>
    tpu.wait_dma2 semaphore(%arg12 : memref<!tpu.dma_semaphore, #tpu.memory_space<semaphore_mem>>) src(%dma_wait3A_774 : memref<32x768xf32, #tpu.memory_space<vmem>>) dst(%dma_wait3A_770 : memref<32x768xf32, #tpu.memory_space<hbm>>)
    %dma_wait3A_775 = arith.constant 2 : i32
    %dma_wait3A_776 = arith.constant 0 : i32
    %dma_wait3A_777 = arith.constant 0 : i32
    %dma_wait3A_778 = tpu.memref_slice %arg6[%dma_wait3A_775, %dma_wait3A_776, %dma_wait3A_777] : memref<4x32x768xf32, #tpu.memory_space<vmem>> -> memref<1x32x768xf32, #tpu.memory_space<vmem>>
    %dma_wait3A_779 = tpu.memref_squeeze %dma_wait3A_778 : memref<1x32x768xf32, #tpu.memory_space<vmem>> -> memref<32x768xf32, #tpu.memory_space<vmem>>
    %dma_wait3A_780 = arith.constant 0 : i32
    %dma_wait3A_781 = tpu.memref_slice %arg4[%add3A_710, %dma_wait3A_780] : memref<16384x768xf32, #tpu.memory_space<hbm>> -> memref<32x768xf32, #tpu.memory_space<hbm>>
    %dma_wait3A_782 = arith.constant 0 : i32
    %dma_wait3A_783 = tpu.memref_slice %arg4[%add3A_710, %dma_wait3A_782] : memref<16384x768xf32, #tpu.memory_space<hbm>> -> memref<32x768xf32, #tpu.memory_space<hbm>>
    %dma_wait3A_784 = arith.constant 0 : i32
    %dma_wait3A_785 = arith.constant 0 : i32
    %dma_wait3A_786 = tpu.memref_slice %arg6[%dma_wait3A_775, %dma_wait3A_784, %dma_wait3A_785] : memref<4x32x768xf32, #tpu.memory_space<vmem>> -> memref<1x32x768xf32, #tpu.memory_space<vmem>>
    %dma_wait3A_787 = tpu.memref_squeeze %dma_wait3A_786 : memref<1x32x768xf32, #tpu.memory_space<vmem>> -> memref<32x768xf32, #tpu.memory_space<vmem>>
    tpu.wait_dma2 semaphore(%arg13 : memref<!tpu.dma_semaphore, #tpu.memory_space<semaphore_mem>>) src(%dma_wait3A_787 : memref<32x768xf32, #tpu.memory_space<vmem>>) dst(%dma_wait3A_783 : memref<32x768xf32, #tpu.memory_space<hbm>>)
    %dma_wait3A_788 = arith.constant 3 : i32
    %dma_wait3A_789 = arith.constant 0 : i32
    %dma_wait3A_790 = arith.constant 0 : i32
    %dma_wait3A_791 = tpu.memref_slice %arg6[%dma_wait3A_788, %dma_wait3A_789, %dma_wait3A_790] : memref<4x32x768xf32, #tpu.memory_space<vmem>> -> memref<1x32x768xf32, #tpu.memory_space<vmem>>
    %dma_wait3A_792 = tpu.memref_squeeze %dma_wait3A_791 : memref<1x32x768xf32, #tpu.memory_space<vmem>> -> memref<32x768xf32, #tpu.memory_space<vmem>>
    %dma_wait3A_793 = arith.constant 0 : i32
    %dma_wait3A_794 = tpu.memref_slice %arg4[%add3A_735, %dma_wait3A_793] : memref<16384x768xf32, #tpu.memory_space<hbm>> -> memref<32x768xf32, #tpu.memory_space<hbm>>
    %dma_wait3A_795 = arith.constant 0 : i32
    %dma_wait3A_796 = tpu.memref_slice %arg4[%add3A_735, %dma_wait3A_795] : memref<16384x768xf32, #tpu.memory_space<hbm>> -> memref<32x768xf32, #tpu.memory_space<hbm>>
    %dma_wait3A_797 = arith.constant 0 : i32
    %dma_wait3A_798 = arith.constant 0 : i32
    %dma_wait3A_799 = tpu.memref_slice %arg6[%dma_wait3A_788, %dma_wait3A_797, %dma_wait3A_798] : memref<4x32x768xf32, #tpu.memory_space<vmem>> -> memref<1x32x768xf32, #tpu.memory_space<vmem>>
    %dma_wait3A_800 = tpu.memref_squeeze %dma_wait3A_799 : memref<1x32x768xf32, #tpu.memory_space<vmem>> -> memref<32x768xf32, #tpu.memory_space<vmem>>
    tpu.wait_dma2 semaphore(%arg14 : memref<!tpu.dma_semaphore, #tpu.memory_space<semaphore_mem>>) src(%dma_wait3A_800 : memref<32x768xf32, #tpu.memory_space<vmem>>) dst(%dma_wait3A_796 : memref<32x768xf32, #tpu.memory_space<hbm>>)
    return
  }
}

</mosaic_0001>

<sc_bundles>
// kernel: _embed.3.cloned.1.call-start
scs
__scs_entry_jumppad:
0x0: {  	(pc) =	sbr.rel $0x88, $3  }
0x1: {  	(tag) =	ssettag $0x0;
	lr =	simm.s32 $0x1  }
0x2: {  	[smem:$0x3F9F] =	sst lr;
	_ =	strace $0xD0000000  }
0x3: {  	_ = 	snop  }
0x4: {  	_ = 	snop  }
0x5: {  	_ = 	snop  }
0x6: {  	_ = 	snop  }
0x7: {  	_ = 	snop  }
__scs_overlays_trampoline_lowered:
0x8: {  	[smem:$0x3FAE] =	sst s0  }
0x9: {  	[smem:$0x3FAF] =	sst s1  }
0xa: {  	[smem:$0x3FB0] =	sst s2  }
0xb: {  	[smem:$0x3FB1] =	sst s3  }
0xc: {  	[smem:$0x3FB2] =	sst s4  }
0xd: {  	[smem:$0x3FB3] =	sst s5  }
0xe: {  	[smem:$0x3FB4] =	sst s6  }
0xf: {  	[smem:$0x3FB5] =	sst s7  }
0x10: {  	[smem:$0x3FB6] =	sst s8  }
0x11: {  	[smem:$0x3FB7] =	sst s9;
	s0 =	simm.s32 @!p0 $0x0  }
0x12: {  	s1 =	sld [smem:$0x3F9D];
	s0 =	simm.s32 @p0 $0x1  }
0x13: {  	[smem:$0x3FB8] =	sst s0;
	s0 =	simm.s32 @!p1 $0x0  }
0x14: {  	s2 =	sld [smem:$0x3F9C];
	s0 =	simm.s32 @p1 $0x1  }
0x15: {  	[smem:$0x3FB9] =	sst s0;
	s0 =	simm.s32 @!p2 $0x0  }
0x16: {  	s3 =	sld [smem:$0x3FDB];
	s0 =	simm.s32 @p2 $0x1  }
0x17: {  	s4 =	simm.s32 $0x1BF5;
	[smem:$0x3FBB] =	sst s0  }
0x18: {  	s0 =	sld [smem:$0x3F9E];
	_ =	swait.ge [sflag:s4], $0x0  }
0x19: {  	s7 =	sld [smem:$0x3F9F]  }
0x1a: {  	s8 =	sadd.s32 $0xFFFFE003, lr  }
0x1b: {  	s9 =	sadd.s32 $0xFFFFFEF7, lr;
	s5 =	simm.s32 $0xFFFFFFFF;
	p2 =	slt.u32 s8, $0xFFFFF086  }
0x1c: {  	p1 =	slt.u32 s9, $0xF7A;
	s5 =	simm.s32 @!p2 $0x0  }
0x1d: {  	s5 =	simm.s32 @p1 $0x1;
	p0 =	seq.s32 s7, s2  }
0x1e: {  	s7 =	smul.u32 @!p0 $0xF7A, s2;
	p2 =	seq.s32 @!p0 s5, $0x0  }
0x1f: {  	s9 =	smul.u32 $0xF7A, s1;
	s8 =	simm.s32 @!p0 $0x1BF5;
	p2 =	por !p2, p0  }
0x20: {  	[sflag:s8] =	ssyncset.s32 @!p0 $0xFFFFF086;
	s6 =	sadd.s32 @!p0 s3, s7;
	s7 =	simm.s32 @!p0 $0x108  }
0x21: {  	s3 =	sadd.s32 s3, s9;
	s6 =	sadd.s32 @!p0 $0x88, s6;
	s7 =	simm.s32 @p2 $0x1082  }
0x22: {  	[simem:s7], [sflag:s8] =	dma.local @!p0 [hbm:s6], $0xF7A  }
0x23: {  	s9 =	sor.u32 $0xD0000000, s2;
	s6 =	simm.s32 $0x108;
	_ =	swait.ge @!p0 [sflag:s8], $0x0  }
0x24: {  	s3 =	sadd.s32 $0x88, s3;
	s6 =	simm.s32 @!p1 $0x1082;
	[sflag:s4] =	ssyncset.s32 $0xFFFFF086  }
0x25: {  	[simem:s6], [sflag:s4] =	dma.local [hbm:s3], $0xF7A  }
0x26: {  	[smem:$0x3F9F] =	sst s1;
	(tag) =	ssettag s2;
	_ =	strace s9  }
0x27: {  	s1 =	sld [smem:$0x3FAF]  }
0x28: {  	s2 =	sld [smem:$0x3FB0]  }
0x29: {  	s4 =	sld [smem:$0x3FB2]  }
0x2a: {  	p0 =	seq.s32 s5, $0x0;
	s5 =	sld [smem:$0x3FB3]  }
0x2b: {  	s6 =	sld [smem:$0x3FB4]  }
0x2c: {  	s7 =	sld [smem:$0x3FB5]  }
0x2d: {  	s3 =	simm.s32 $0x108;
	s8 =	sld [smem:$0x3FB6]  }
0x2e: {  	s3 =	simm.s32 @!p0 $0x1082;
	s9 =	sld [smem:$0x3FB7]  }
0x2f: {  	lr =	sadd.s32 s0, s3;
	s0 =	sld [smem:$0x3FAE]  }
0x30: {  	s3 =	sld [smem:$0x3FB1]  }
0x31: {  	[smem:$0x3FBA] =	sst s10  }
0x32: {  	s10 =	sld [smem:$0x3FB8];
	_ =	sdelay $0x3  }
0x33: {  	p0 =	seq.s32 s10, $0x1;
	s10 =	sld [smem:$0x3FBA];
	_ =	sdelay $0x3  }
0x34: {  	[smem:$0x3FBA] =	sst s10  }
0x35: {  	s10 =	sld [smem:$0x3FB9];
	_ =	sdelay $0x3  }
0x36: {  	p1 =	seq.s32 s10, $0x1;
	s10 =	sld [smem:$0x3FBA];
	_ =	sdelay $0x3  }
0x37: {  	[smem:$0x3FBA] =	sst s10  }
0x38: {  	s10 =	sld [smem:$0x3FBB]  }
0x39: {  	_ = 	snop;
	(pc) =	sbr.ind lr, $3  }
0x3a: {  	_ = 	snop  }
0x3b: {  	_ = 	snop  }
0x3c: {  	p2 =	seq.s32 s10, $0x1;
	s10 =	sld [smem:$0x3FBA]  }
0x3d: {  	_ =	shalt  }
0x3e: {  	_ =	shalt  }
0x3f: {  	_ =	shalt  }
0x40: {  	_ =	shalt  }
0x41: {  	_ =	shalt  }
0x42: {  	_ =	shalt  }
0x43: {  	_ =	shalt  }
0x44: {  	_ =	shalt  }
0x45: {  	_ =	shalt  }
0x46: {  	_ =	shalt  }
0x47: {  	_ =	shalt  }
0x48: {  	_ =	shalt  }
0x49: {  	_ =	shalt  }
0x4a: {  	_ =	shalt  }
0x4b: {  	_ =	shalt  }
0x4c: {  	_ =	shalt  }
0x4d: {  	_ =	shalt  }
0x4e: {  	_ =	shalt  }
0x4f: {  	_ =	shalt  }
0x50: {  	_ =	shalt  }
0x51: {  	_ =	shalt  }
0x52: {  	_ =	shalt  }
0x53: {  	_ =	shalt  }
0x54: {  	_ =	shalt  }
0x55: {  	_ =	shalt  }
0x56: {  	_ =	shalt  }
0x57: {  	_ =	shalt  }
0x58: {  	_ =	shalt  }
0x59: {  	_ =	shalt  }
0x5a: {  	_ =	shalt  }
0x5b: {  	_ =	shalt  }
0x5c: {  	_ =	shalt  }
0x5d: {  	_ =	shalt  }
0x5e: {  	_ =	shalt  }
0x5f: {  	_ =	shalt  }
0x60: {  	_ =	shalt  }
0x61: {  	_ =	shalt  }
0x62: {  	_ =	shalt  }
0x63: {  	_ =	shalt  }
0x64: {  	_ =	shalt  }
0x65: {  	_ =	shalt  }
0x66: {  	_ =	shalt  }
0x67: {  	_ =	shalt  }
0x68: {  	_ =	shalt  }
0x69: {  	_ =	shalt  }
0x6a: {  	_ =	shalt  }
0x6b: {  	_ =	shalt  }
0x6c: {  	_ =	shalt  }
0x6d: {  	_ =	shalt  }
0x6e: {  	_ =	shalt  }
0x6f: {  	_ =	shalt  }
0x70: {  	_ =	shalt  }
0x71: {  	_ =	shalt  }
0x72: {  	_ =	shalt  }
0x73: {  	_ =	shalt  }
0x74: {  	_ =	shalt  }
0x75: {  	_ =	shalt  }
0x76: {  	_ =	shalt  }
0x77: {  	_ =	shalt  }
0x78: {  	_ =	shalt  }
0x79: {  	_ =	shalt  }
0x7a: {  	_ =	shalt  }
0x7b: {  	_ =	shalt  }
0x7c: {  	_ =	shalt  }
0x7d: {  	_ =	shalt  }
0x7e: {  	_ =	shalt  }
0x7f: {  	_ =	shalt  }
0x80: {  	_ =	shalt  }
0x81: {  	_ =	shalt  }
0x82: {  	_ =	shalt  }
0x83: {  	_ =	shalt  }
0x84: {  	_ =	shalt  }
0x85: {  	_ =	shalt  }
0x86: {  	_ =	shalt  }
0x87: {  	_ =	shalt  }
.Lfunc_end0:
.L_simem_size_0:
called_computation_lowered:
.L_overlay_start_0:
0x88: {  	s2 =	sld [smem:$0x3FD9]  }
0x89: {  	s3 =	sld [smem:$0x3FFE];
	_ =	sdelay $0x1  }
0x8a: {  	s1 =	srdreg.scid  }
0x8b: {  	s0 =	sand.u32 $0x1, s1  }
0x8c: {  	s18 =	sshll.u32 s0, $0xA;
	s2 =	sadd.s32 s3, s2  }
0x8d: {  	s2 =	sadd.s32 s2, s18  }
0x8e: {  	[smem:$0x3FC6] =	sst s2  }
0x8f: {  	_ = 	snop  }
0x90: {  	s2 =	sld [smem:$0x3FC9]  }
0x91: {  	s19 =	sld [smem:$0x3FC8]  }
0x92: {  	s4 =	sld [smem:$0x3FD0];
	(tm) =	ssettm $0x1  }
0x93: {  	s5 =	sld [smem:$0x3FFB];
	_ =	sdelay $0x3  }
0x94: {  	_ =	strace s5  }
0x95: {  	s5 =	sld [smem:$0x3FFC];
	_ =	sdelay $0x3  }
0x96: {  	_ =	strace s5  }
0x97: {  	s5 =	sld [smem:$0x3FFD];
	_ =	sdelay $0x3  }
0x98: {  	_ =	strace s5  }
0x99: {  	_ =	strace $0x8FFFFFFF  }
0x9a: {  	s20 =	sld [smem:$0x3FDB];
	_ =	sdelay $0x1  }
0x9b: {  	s6 =	simm.s32 $_scs_section_size  }
0x9c: {  	s7 =	simm.s32 $_size__tile_overlayer_lowered;
	s8 =	simm.s32 $_tile_overlayer_lowered  }
0x9d: {  	s23 =	simm.s32 $0x1BFF;
	s22 =	sshll.u32 s8, $0x1;
	s5 =	sadd.s32 s6, s20  }
0x9e: {  	s9 =	simm.s32 $0x0;
	s21 =	sshll.u32 s7, $0x1;
	s7 =	sadd.s32 s22, s5  }
0x9f: {  	[timem:s9], [sflag:s23] =	dma.local [hbm:s7], s21  }
0xa0: {  	_ =	swait.ge [sflag:s23], s21  }
0xa1: {  	s6 =	ssub.s32 $0x0, s21;
	[sflag:s23] =	ssyncset.done $0x0  }
0xa2: {  	[sflag:s23] =	ssyncadd.s32 s6;
	_ =	sdelay $0x1  }
0xa3: {  	s24 =	simm.s32 $0x1B8B  }
0xa4: {  	_ =	swait.ge [sflag:s24], $0x1  }
0xa5: {  	[sflag:s24] =	ssyncset.done $0x0  }
0xa6: {  	s25 =	simm.s32 $0x1B8E;
	[sflag:s24] =	ssyncadd.s32 $0xFFFFFFFF  }
0xa7: {  	s26 =	simm.s32 $execute0_lowered;
	[smem:$0x3FD2] =	sst s25  }
0xa8: {  	s6 =	sshll.u32 s26, $0x1;
	_ =	strace $0x80000046;
	[dreg:$0x1] =	wrdreg $0xFFFFFFFF  }
0xa9: {  	s28 =	simm.s32 $_size_execute0_lowered;
	s5 =	sadd.s32 s5, s6;
	[dreg:$0x0] =	wrdreg $0x0  }
0xaa: {  	s6 =	sshll.u32 s28, $0x1;
	[dreg:$0x2] =	wrdreg s5  }
0xab: {  	[dreg:$0x3] =	wrdreg s6  }
0xac: {  	[dreg:$0x4] =	wrdreg $0xC0  }
0xad: {  	_ =	task [dreg:s9], $0x5FFFF  }
0xae: {  	[dreg:$0x1] =	wrdreg $0xFFFFFFFF  }
0xaf: {  	[dreg:$0x0] =	wrdreg $0x60  }
0xb0: {  	[dreg:$0x2] =	wrdreg s2  }
0xb1: {  	[dreg:$0x3] =	wrdreg s19  }
0xb2: {  	[dreg:$0x4] =	wrdreg s4  }
0xb3: {  	[dreg:$0x5] =	wrdreg $0x9  }
0xb4: {  	_ =	task.clear_ibuf [dreg:s9], $0x6FFFF;
	_ =	strace $0x90000046  }
0xb5: {  	s29 =	simm.s32 $0x9;
	_ =	strace $0x80000048  }
0xb6: {  	_ =	swait.ge [sflag:s29], $0x1  }
0xb7: {  	[sflag:s29] =	ssyncadd.s32 $0xFFFFFFFF  }
0xb8: {  	_ =	strace $0x90000048  }
0xb9: {  	_ =	sfence  }
0xba: {  	s30 =	sld [smem:$0x0];
	_ =	sdelay $0x2  }
0xbb: {  	s31 =	sshll.u32 s1, $0xD;
	s1 =	sshrl.u32 s1, $0x2  }
0xbc: {  	s3 =	sand.u32 $0x4000, s31;
	s1 =	sadd.s32 s1, s30  }
0xbd: {  	s0 =	sor.u32 s3, s0;
	s1 =	sshll.u32 s1, $0x11  }
0xbe: {  	s0 =	sor.u32 s1, s0  }
0xbf: {  	s0 =	sadd.s32 $0x8F2B, s0  }
0xc0: {  	[sflag:s0] =	ssyncadd.remote.s32 $0x1  }
0xc1: {  	_ =	sfence.sel $0xFFFF  }
0xc2: {  	[dreg:$0x0] =	wrdreg $0xFFFFFFFF;
	(pc) =	sbr.abs _section_cstart, $3  }
0xc3: {  	[dreg:$0x1] =	wrdreg $0xFFFFFFFF  }
0xc4: {  	_ =	task.clear_ibuf [dreg:s9], $0x2FFFF;
	_ =	strace $0x9FFFFFFF  }
0xc5: {  	(tm) =	ssettm $0x7FFFFFFF  }
tec
execute0_lowered:
.L_overlay_start_1:
0x0: {  	(tag) =	ssettag $0x1  }
0x1: {  	s0 =	rddreg [dreg:$0x0]  }
0x2: {  	s2 =	rddreg [dreg:$0x1]  }
0x3: {  	s1 =	rddreg [dreg:$0x2]  }
0x4: {  	s3 =	srdreg.scid;
	s6 =	stileid.u32  }
0x5: {  	s31 =	simm.s32 $0x80;
	s4 =	sand.u32 $0x1, s3;
	s5 =	sshll.u32 s6, $0x1  }
0x6: {  	s3 =	simm.s32 $0x0;
	s6 =	sshll.u32 s6, $0x2;
	s5 =	sor.u32 s4, s5  }
0x7: {  	s6 =	sand.u32 $0x30, s6;
	[smem:$0x7FF] =	sst s3;
	s7 =	sshll.u32 s5, $0x8  }
0x8: {  	s8 =	smul.u32 $0xC000, s5;
	s0 =	sadd.s32 s0, s6;
	s7 =	sand.u32 $0x700, s7  }
0x9: {  	_ =	strace $0x80000047;
	[dreg:$0x14] =	wrdreg s31;
	s0 =	sadd.s32 s7, s0  }
0xa: {  	s9 =	simm.s32 $0x1;
	s13 =	sadd.s32 s1, s8;
	[dreg:$0x4] =	wrdreg s0  }
0xb: {  	s10 =	simm.s32 $0x5;
	s14 =	sadd.s32 $0xC00, s13;
	[dreg:$0x15] =	wrdreg s13  }
0xc: {  	s5 =	smul.u32 $0x60000, s5;
	s15 =	sadd.s32 $0x1800, s13;
	[dreg:$0x5] =	wrdreg s14  }
0xd: {  	s11 =	simm.s32 $0x2;
	s16 =	sadd.s32 $0x2400, s13;
	[dreg:$0x6] =	wrdreg s15  }
0xe: {  	s5 =	sshrl.u32 s5, $0x3;
	s17 =	sadd.s32 $0x3000, s13;
	[dreg:$0x7] =	wrdreg s16  }
0xf: {  	s18 =	sadd.s32 $0x3C00, s13;
	s1 =	sadd.s32 s1, s5;
	[dreg:$0x8] =	wrdreg s17  }
0x10: {  	s12 =	simm.s32 $0x6;
	[dreg:$0x9] =	wrdreg s18;
	s19 =	sadd.s32 $0x4800, s1  }
0x11: {  	s4 =	ssub.s32 $0x2, s4;
	s20 =	sadd.s32 $0x5400, s1;
	[dreg:$0xa] =	wrdreg s19  }
0x12: {  	s28 =	sshrl.u32 s4, $0x1;
	s21 =	sadd.s32 $0x6000, s1;
	[dreg:$0xb] =	wrdreg s20  }
0x13: {  	s6 =	sadd.s32 $0x200, s2;
	s22 =	sadd.s32 $0x6C00, s1;
	[dreg:$0xc] =	wrdreg s21  }
0x14: {  	s4 =	ssub.s32 s4, s28;
	s23 =	sadd.s32 $0x7800, s1;
	[dreg:$0xd] =	wrdreg s22  }
0x15: {  	s7 =	smax.u32 s4, $0x1;
	s24 =	sadd.s32 $0x8400, s1;
	[dreg:$0xe] =	wrdreg s23  }
0x16: {  	s8 =	simm.s32 $0x12200;
	s25 =	sadd.s32 $0x9000, s1;
	[dreg:$0xf] =	wrdreg s24  }
0x17: {  	s5 =	sadd.s32 $0x100, s2;
	s26 =	sadd.s32 $0x9C00, s1;
	[dreg:$0x10] =	wrdreg s25  }
0x18: {  	v2 =	vlaneseq.u32;
	s13 =	simm.s32 $0x3;
	s29 =	sadd.s32 $0xA800, s1;
	[dreg:$0x11] =	wrdreg s26  }
0x19: {  	vm0 =	vmmov $0xffff;
	v1 =	vshrl.u32 v2, $0x3;
	s30 =	sadd.s32 $0xB400, s1;
	s14 =	simm.s32 $0x7;
	[dreg:$0x12] =	wrdreg s29  }
0x1a: {  	v0 =	vand.u32 $0x7, v2;
	v2 =	vor.u32 $0x8, v2;
	v1 =	vmul.u32 $0x8, v1;
	s15 =	simm.s32 $0x4;
	s16 =	simm.s32 $0x8;
	[dreg:$0x13] =	wrdreg s30  }
.LBB2_1:
0x1b: {  	s17 =	rddreg [dreg:$0x4]  }
0x1c: {  	s18 =	rddreg [dreg:$0x14];
	s0 =	simm.s32 $0x200;
	s19 =	simm.s32 $0x9  }
0x1d: {  	[tilespmem:s3], [sflag:$0x9] =	stream.strided.gather [hbm4b:s17+s18], $0x200, s0, s18, $0x38;
	[tilespmem:$0x18200] =	vst v63  }
0x1e: {  	_ =	swait.ge [sflag:s19], $0x200  }
0x1f: {  	[sflag:s19] =	ssyncset.done $0x0  }
0x20: {  	[sflag:s19] =	ssyncadd.s32 $0xFFFFFE00  }
0x21: {  	v3 =	vld [tilespmem:$0x0];
	_ =	sdelay $0x4  }
0x22: {  	v4 =	vshrl.u32 v3, $0x3  }
0x23: {  	v4 =	vmul.u32 $0x30, v4  }
0x24: {  	v3 =	vand.u32 $0x7, v3  }
0x25: {  	v3 =	vor.u32 v3, v4  }
0x26: {  	v4 =	vperm.xlane v3, v0;
	_ =	sdelay $0x1  }
0x27: {  	v4 =	vadd.s32 v1, v4;
	_ =	sdelay $0x3  }
0x28: {  	s18 =	simm.s32 $0x200;
	v3 =	vperm.xlane v3, v2  }
0x29: {  	[tilespmem:s18], [sflag:$0x1] =	stream.indirect_vreg.gather [hbm4b:s2+s3], $0x80, v4, vm0, $0xb8;
	[tilespmem:$0x18200] =	vst v63  }
0x2a: {  	s20 =	simm.s32 $0xA00;
	v3 =	vadd.s32 v1, v3  }
0x2b: {  	[tilespmem:s20], [sflag:$0x1] =	stream.indirect_vreg.gather [hbm4b:s5+s3], $0x80, v4, vm0, $0xb8;
	[tilespmem:$0x18200] =	vst v63  }
0x2c: {  	s21 =	simm.s32 $0x1200  }
0x2d: {  	[tilespmem:s21], [sflag:$0x1] =	stream.indirect_vreg.gather [hbm4b:s6+s3], $0x80, v4, vm0, $0xb8;
	[tilespmem:$0x18200] =	vst v63  }
0x2e: {  	s23 =	simm.s32 $0x1A00  }
0x2f: {  	[tilespmem:s23], [sflag:$0x1] =	stream.indirect_vreg.gather [hbm4b:s2+s3], $0x80, v3, vm0, $0xb8;
	[tilespmem:$0x18200] =	vst v63  }
0x30: {  	s24 =	simm.s32 $0x2200  }
0x31: {  	[tilespmem:s24], [sflag:$0x1] =	stream.indirect_vreg.gather [hbm4b:s5+s3], $0x80, v3, vm0, $0xb8;
	[tilespmem:$0x18200] =	vst v63  }
0x32: {  	s25 =	simm.s32 $0x2A00  }
0x33: {  	[tilespmem:s25], [sflag:$0x1] =	stream.indirect_vreg.gather [hbm4b:s6+s3], $0x80, v3, vm0, $0xb8;
	[tilespmem:$0x18200] =	vst v63  }
0x34: {  	v3 =	vld [tilespmem:$0x10];
	_ =	sdelay $0x4  }
0x35: {  	v33 =	vshrl.u32 v3, $0x3  }
0x36: {  	v4 =	vmul.u32 $0x30, v33  }
0x37: {  	v3 =	vand.u32 $0x7, v3  }
0x38: {  	v3 =	vor.u32 v3, v4  }
0x39: {  	v4 =	vperm.xlane v3, v0;
	_ =	sdelay $0x1  }
0x3a: {  	v4 =	vadd.s32 v1, v4;
	_ =	sdelay $0x3  }
0x3b: {  	s26 =	simm.s32 $0x3200;
	v3 =	vperm.xlane v3, v2  }
0x3c: {  	[tilespmem:s26], [sflag:$0x1] =	stream.indirect_vreg.gather [hbm4b:s2+s3], $0x80, v4, vm0, $0xb8;
	[tilespmem:$0x18200] =	vst v63  }
0x3d: {  	s28 =	simm.s32 $0x3A00;
	v3 =	vadd.s32 v1, v3  }
0x3e: {  	[tilespmem:s28], [sflag:$0x1] =	stream.indirect_vreg.gather [hbm4b:s5+s3], $0x80, v4, vm0, $0xb8;
	[tilespmem:$0x18200] =	vst v63  }
0x3f: {  	s29 =	simm.s32 $0x4200  }
0x40: {  	[tilespmem:s29], [sflag:$0x1] =	stream.indirect_vreg.gather [hbm4b:s6+s3], $0x80, v4, vm0, $0xb8;
	[tilespmem:$0x18200] =	vst v63  }
0x41: {  	s30 =	simm.s32 $0x4A00  }
0x42: {  	[tilespmem:s30], [sflag:$0x1] =	stream.indirect_vreg.gather [hbm4b:s2+s3], $0x80, v3, vm0, $0xb8;
	[tilespmem:$0x18200] =	vst v63  }
0x43: {  	s17 =	simm.s32 $0x5200  }
0x44: {  	[tilespmem:s17], [sflag:$0x1] =	stream.indirect_vreg.gather [hbm4b:s5+s3], $0x80, v3, vm0, $0xb8;
	[tilespmem:$0x18200] =	vst v63  }
0x45: {  	s21 =	simm.s32 $0x5A00  }
0x46: {  	[tilespmem:s21], [sflag:$0x1] =	stream.indirect_vreg.gather [hbm4b:s6+s3], $0x80, v3, vm0, $0xb8;
	[tilespmem:$0x18200] =	vst v63  }
0x47: {  	v3 =	vld [tilespmem:$0x20];
	_ =	sdelay $0x4  }
0x48: {  	v34 =	vshrl.u32 v3, $0x3  }
0x49: {  	v4 =	vmul.u32 $0x30, v34  }
0x4a: {  	v3 =	vand.u32 $0x7, v3  }
0x4b: {  	v3 =	vor.u32 v3, v4  }
0x4c: {  	v4 =	vperm.xlane v3, v0;
	_ =	sdelay $0x1  }
0x4d: {  	v4 =	vadd.s32 v1, v4;
	_ =	sdelay $0x3  }
0x4e: {  	s23 =	simm.s32 $0x6200;
	v3 =	vperm.xlane v3, v2  }
0x4f: {  	[tilespmem:s23], [sflag:$0x2] =	stream.indirect_vreg.gather [hbm4b:s2+s3], $0x80, v4, vm0, $0xb8;
	[tilespmem:$0x18200] =	vst v63  }
0x50: {  	s24 =	simm.s32 $0x6A00;
	v3 =	vadd.s32 v1, v3  }
0x51: {  	[tilespmem:s24], [sflag:$0x2] =	stream.indirect_vreg.gather [hbm4b:s5+s3], $0x80, v4, vm0, $0xb8;
	[tilespmem:$0x18200] =	vst v63  }
0x52: {  	s25 =	simm.s32 $0x7200  }
0x53: {  	[tilespmem:s25], [sflag:$0x2] =	stream.indirect_vreg.gather [hbm4b:s6+s3], $0x80, v4, vm0, $0xb8;
	[tilespmem:$0x18200] =	vst v63  }
0x54: {  	s26 =	simm.s32 $0x7A00  }
0x55: {  	[tilespmem:s26], [sflag:$0x2] =	stream.indirect_vreg.gather [hbm4b:s2+s3], $0x80, v3, vm0, $0xb8;
	[tilespmem:$0x18200] =	vst v63  }
0x56: {  	s28 =	simm.s32 $0x8200  }
0x57: {  	[tilespmem:s28], [sflag:$0x2] =	stream.indirect_vreg.gather [hbm4b:s5+s3], $0x80, v3, vm0, $0xb8;
	[tilespmem:$0x18200] =	vst v63  }
0x58: {  	s30 =	simm.s32 $0x8A00  }
0x59: {  	[tilespmem:s30], [sflag:$0x2] =	stream.indirect_vreg.gather [hbm4b:s6+s3], $0x80, v3, vm0, $0xb8;
	[tilespmem:$0x18200] =	vst v63  }
0x5a: {  	v3 =	vld [tilespmem:$0x30];
	_ =	sdelay $0x4  }
0x5b: {  	v35 =	vshrl.u32 v3, $0x3  }
0x5c: {  	v4 =	vmul.u32 $0x30, v35  }
0x5d: {  	v3 =	vand.u32 $0x7, v3  }
0x5e: {  	v3 =	vor.u32 v3, v4  }
0x5f: {  	v4 =	vperm.xlane v3, v0;
	_ =	sdelay $0x1  }
0x60: {  	v4 =	vadd.s32 v1, v4;
	_ =	sdelay $0x3  }
0x61: {  	s17 =	simm.s32 $0x9200;
	v3 =	vperm.xlane v3, v2  }
0x62: {  	[tilespmem:s17], [sflag:$0x2] =	stream.indirect_vreg.gather [hbm4b:s2+s3], $0x80, v4, vm0, $0xb8;
	[tilespmem:$0x18200] =	vst v63  }
0x63: {  	s28 =	simm.s32 $0x9A00;
	v3 =	vadd.s32 v1, v3  }
0x64: {  	[tilespmem:s28], [sflag:$0x2] =	stream.indirect_vreg.gather [hbm4b:s5+s3], $0x80, v4, vm0, $0xb8;
	[tilespmem:$0x18200] =	vst v63  }
0x65: {  	s17 =	simm.s32 $0xA200  }
0x66: {  	[tilespmem:s17], [sflag:$0x2] =	stream.indirect_vreg.gather [hbm4b:s6+s3], $0x80, v4, vm0, $0xb8;
	[tilespmem:$0x18200] =	vst v63  }
0x67: {  	s17 =	simm.s32 $0xAA00  }
0x68: {  	[tilespmem:s17], [sflag:$0x2] =	stream.indirect_vreg.gather [hbm4b:s2+s3], $0x80, v3, vm0, $0xb8;
	[tilespmem:$0x18200] =	vst v63  }
0x69: {  	s17 =	simm.s32 $0xB200  }
0x6a: {  	[tilespmem:s17], [sflag:$0x2] =	stream.indirect_vreg.gather [hbm4b:s5+s3], $0x80, v3, vm0, $0xb8;
	[tilespmem:$0x18200] =	vst v63  }
0x6b: {  	s17 =	simm.s32 $0xBA00  }
0x6c: {  	[tilespmem:s17], [sflag:$0x2] =	stream.indirect_vreg.gather [hbm4b:s6+s3], $0x80, v3, vm0, $0xb8;
	[tilespmem:$0x18200] =	vst v63  }
0x6d: {  	v3 =	vld [tilespmem:$0x40];
	_ =	sdelay $0x4  }
0x6e: {  	v36 =	vshrl.u32 v3, $0x3  }
0x6f: {  	v4 =	vmul.u32 $0x30, v36  }
0x70: {  	v3 =	vand.u32 $0x7, v3  }
0x71: {  	v3 =	vor.u32 v3, v4  }
0x72: {  	v4 =	vperm.xlane v3, v0;
	_ =	sdelay $0x1  }
0x73: {  	v4 =	vadd.s32 v1, v4;
	_ =	sdelay $0x3  }
0x74: {  	s17 =	simm.s32 $0xC200;
	v3 =	vperm.xlane v3, v2  }
0x75: {  	[tilespmem:s17], [sflag:$0x3] =	stream.indirect_vreg.gather [hbm4b:s2+s3], $0x80, v4, vm0, $0xb8;
	[tilespmem:$0x18200] =	vst v63  }
0x76: {  	v3 =	vadd.s32 v1, v3;
	s17 =	simm.s32 $0xCA00  }
0x77: {  	[tilespmem:s17], [sflag:$0x3] =	stream.indirect_vreg.gather [hbm4b:s5+s3], $0x80, v4, vm0, $0xb8;
	[tilespmem:$0x18200] =	vst v63  }
0x78: {  	s17 =	simm.s32 $0xD200  }
0x79: {  	[tilespmem:s17], [sflag:$0x3] =	stream.indirect_vreg.gather [hbm4b:s6+s3], $0x80, v4, vm0, $0xb8;
	[tilespmem:$0x18200] =	vst v63  }
0x7a: {  	s17 =	simm.s32 $0xDA00  }
0x7b: {  	[tilespmem:s17], [sflag:$0x3] =	stream.indirect_vreg.gather [hbm4b:s2+s3], $0x80, v3, vm0, $0xb8;
	[tilespmem:$0x18200] =	vst v63  }
0x7c: {  	s17 =	simm.s32 $0xE200  }
0x7d: {  	[tilespmem:s17], [sflag:$0x3] =	stream.indirect_vreg.gather [hbm4b:s5+s3], $0x80, v3, vm0, $0xb8;
	[tilespmem:$0x18200] =	vst v63  }
0x7e: {  	s17 =	simm.s32 $0xEA00  }
0x7f: {  	[tilespmem:s17], [sflag:$0x3] =	stream.indirect_vreg.gather [hbm4b:s6+s3], $0x80, v3, vm0, $0xb8;
	[tilespmem:$0x18200] =	vst v63  }
0x80: {  	v3 =	vld [tilespmem:$0x50];
	_ =	sdelay $0x4  }
0x81: {  	v37 =	vshrl.u32 v3, $0x3  }
0x82: {  	v4 =	vmul.u32 $0x30, v37  }
0x83: {  	v3 =	vand.u32 $0x7, v3  }
0x84: {  	v3 =	vor.u32 v3, v4  }
0x85: {  	v4 =	vperm.xlane v3, v0;
	_ =	sdelay $0x1  }
0x86: {  	v4 =	vadd.s32 v1, v4;
	_ =	sdelay $0x3  }
0x87: {  	s17 =	simm.s32 $0xF200;
	v3 =	vperm.xlane v3, v2  }
0x88: {  	[tilespmem:s17], [sflag:$0x3] =	stream.indirect_vreg.gather [hbm4b:s2+s3], $0x80, v4, vm0, $0xb8;
	[tilespmem:$0x18200] =	vst v63  }
0x89: {  	v3 =	vadd.s32 v1, v3;
	s17 =	simm.s32 $0xFA00  }
0x8a: {  	[tilespmem:s17], [sflag:$0x3] =	stream.indirect_vreg.gather [hbm4b:s5+s3], $0x80, v4, vm0, $0xb8;
	[tilespmem:$0x18200] =	vst v63  }
0x8b: {  	s17 =	simm.s32 $0x10200  }
0x8c: {  	[tilespmem:s17], [sflag:$0x3] =	stream.indirect_vreg.gather [hbm4b:s6+s3], $0x80, v4, vm0, $0xb8;
	[tilespmem:$0x18200] =	vst v63  }
0x8d: {  	s17 =	simm.s32 $0x10A00  }
0x8e: {  	[tilespmem:s17], [sflag:$0x3] =	stream.indirect_vreg.gather [hbm4b:s2+s3], $0x80, v3, vm0, $0xb8;
	[tilespmem:$0x18200] =	vst v63  }
0x8f: {  	s17 =	simm.s32 $0x11200  }
0x90: {  	[tilespmem:s17], [sflag:$0x3] =	stream.indirect_vreg.gather [hbm4b:s5+s3], $0x80, v3, vm0, $0xb8;
	[tilespmem:$0x18200] =	vst v63  }
0x91: {  	s17 =	simm.s32 $0x11A00  }
0x92: {  	[tilespmem:s17], [sflag:$0x3] =	stream.indirect_vreg.gather [hbm4b:s6+s3], $0x80, v3, vm0, $0xb8;
	[tilespmem:$0x18200] =	vst v63  }
0x93: {  	v3 =	vld [tilespmem:$0x60];
	_ =	sdelay $0x4  }
0x94: {  	v38 =	vshrl.u32 v3, $0x3  }
0x95: {  	v4 =	vmul.u32 $0x30, v38  }
0x96: {  	v3 =	vand.u32 $0x7, v3  }
0x97: {  	v3 =	vor.u32 v3, v4  }
0x98: {  	v4 =	vperm.xlane v3, v0;
	_ =	sdelay $0x1  }
0x99: {  	v4 =	vadd.s32 v1, v4;
	_ =	sdelay $0x3  }
0x9a: {  	v3 =	vperm.xlane v3, v2  }
0x9b: {  	[tilespmem:s8], [sflag:$0x4] =	stream.indirect_vreg.gather [hbm4b:s2+s3], $0x80, v4, vm0, $0xb8;
	[tilespmem:$0x18200] =	vst v63  }
0x9c: {  	s0 =	simm.s32 $0x12A00;
	v3 =	vadd.s32 v1, v3  }
0x9d: {  	[tilespmem:s0], [sflag:$0x4] =	stream.indirect_vreg.gather [hbm4b:s5+s3], $0x80, v4, vm0, $0xb8;
	[tilespmem:$0x18200] =	vst v63  }
0x9e: {  	s0 =	simm.s32 $0x13200  }
0x9f: {  	[tilespmem:s0], [sflag:$0x4] =	stream.indirect_vreg.gather [hbm4b:s6+s3], $0x80, v4, vm0, $0xb8;
	[tilespmem:$0x18200] =	vst v63  }
0xa0: {  	s0 =	simm.s32 $0x13A00  }
0xa1: {  	[tilespmem:s0], [sflag:$0x4] =	stream.indirect_vreg.gather [hbm4b:s2+s3], $0x80, v3, vm0, $0xb8;
	[tilespmem:$0x18200] =	vst v63  }
0xa2: {  	s0 =	simm.s32 $0x14200  }
0xa3: {  	[tilespmem:s0], [sflag:$0x4] =	stream.indirect_vreg.gather [hbm4b:s5+s3], $0x80, v3, vm0, $0xb8;
	[tilespmem:$0x18200] =	vst v63  }
0xa4: {  	s0 =	simm.s32 $0x14A00  }
0xa5: {  	[tilespmem:s0], [sflag:$0x4] =	stream.indirect_vreg.gather [hbm4b:s6+s3], $0x80, v3, vm0, $0xb8;
	[tilespmem:$0x18200] =	vst v63  }
0xa6: {  	v3 =	vld [tilespmem:$0x70];
	_ =	sdelay $0x4  }
0xa7: {  	v39 =	vshrl.u32 v3, $0x3  }
0xa8: {  	v4 =	vmul.u32 $0x30, v39  }
0xa9: {  	v3 =	vand.u32 $0x7, v3  }
0xaa: {  	v3 =	vor.u32 v3, v4  }
0xab: {  	v4 =	vperm.xlane v3, v0;
	_ =	sdelay $0x1  }
0xac: {  	v4 =	vadd.s32 v1, v4;
	_ =	sdelay $0x3  }
0xad: {  	s0 =	simm.s32 $0x15200;
	v3 =	vperm.xlane v3, v2  }
0xae: {  	[tilespmem:s0], [sflag:$0x4] =	stream.indirect_vreg.gather [hbm4b:s2+s3], $0x80, v4, vm0, $0xb8;
	[tilespmem:$0x18200] =	vst v63  }
0xaf: {  	v3 =	vadd.s32 v1, v3;
	s0 =	simm.s32 $0x15A00  }
0xb0: {  	[tilespmem:s0], [sflag:$0x4] =	stream.indirect_vreg.gather [hbm4b:s5+s3], $0x80, v4, vm0, $0xb8;
	[tilespmem:$0x18200] =	vst v63  }
0xb1: {  	s0 =	simm.s32 $0x16200  }
0xb2: {  	[tilespmem:s0], [sflag:$0x4] =	stream.indirect_vreg.gather [hbm4b:s6+s3], $0x80, v4, vm0, $0xb8;
	[tilespmem:$0x18200] =	vst v63  }
0xb3: {  	s0 =	simm.s32 $0x16A00  }
0xb4: {  	[tilespmem:s0], [sflag:$0x4] =	stream.indirect_vreg.gather [hbm4b:s2+s3], $0x80, v3, vm0, $0xb8;
	[tilespmem:$0x18200] =	vst v63  }
0xb5: {  	s0 =	simm.s32 $0x17200  }
0xb6: {  	[tilespmem:s0], [sflag:$0x4] =	stream.indirect_vreg.gather [hbm4b:s5+s3], $0x80, v3, vm0, $0xb8;
	[tilespmem:$0x18200] =	vst v63  }
0xb7: {  	s0 =	simm.s32 $0x17A00  }
0xb8: {  	[tilespmem:s0], [sflag:$0x4] =	stream.indirect_vreg.gather [hbm4b:s6+s3], $0x80, v3, vm0, $0xb8;
	[tilespmem:$0x18200] =	vst v63  }
0xb9: {  	_ =	swait.ge [sflag:s9], $0x6000  }
0xba: {  	[sflag:s9] =	ssyncset.done $0x0  }
0xbb: {  	s0 =	simm.s32 $0x200;
	s17 =	rddreg [dreg:$0x15];
	[sflag:s9] =	ssyncadd.s32 $0xFFFFA000  }
0xbc: {  	[hbm4b:s17+s3] =	stream.linear.scatter [tilespmem:s0], [sflag:$0x5], $0x6000, $0x38;
	[tilespmem:$0x18200] =	vst v63  }
0xbd: {  	_ =	swait.ge [sflag:s10], $0x6000  }
0xbe: {  	[sflag:s10] =	ssyncset.done $0x0  }
0xbf: {  	[sflag:s10] =	ssyncadd.s32 $0xFFFFA000  }
0xc0: {  	v3 =	vld [tilespmem:$0x80];
	_ =	sdelay $0x4  }
0xc1: {  	v40 =	vshrl.u32 v3, $0x3  }
0xc2: {  	v4 =	vmul.u32 $0x30, v40  }
0xc3: {  	v3 =	vand.u32 $0x7, v3  }
0xc4: {  	v3 =	vor.u32 v3, v4  }
0xc5: {  	v4 =	vperm.xlane v3, v0;
	_ =	sdelay $0x1  }
0xc6: {  	v4 =	vadd.s32 v1, v4;
	_ =	sdelay $0x3  }
0xc7: {  	v3 =	vperm.xlane v3, v2  }
0xc8: {  	[tilespmem:s0], [sflag:$0x1] =	stream.indirect_vreg.gather [hbm4b:s2+s3], $0x80, v4, vm0, $0xb8;
	[tilespmem:$0x18200] =	vst v63  }
0xc9: {  	s22 =	simm.s32 $0xA00;
	v3 =	vadd.s32 v1, v3  }
0xca: {  	[tilespmem:s22], [sflag:$0x1] =	stream.indirect_vreg.gather [hbm4b:s5+s3], $0x80, v4, vm0, $0xb8;
	[tilespmem:$0x18200] =	vst v63  }
0xcb: {  	s31 =	simm.s32 $0x1200  }
0xcc: {  	[tilespmem:s31], [sflag:$0x1] =	stream.indirect_vreg.gather [hbm4b:s6+s3], $0x80, v4, vm0, $0xb8;
	[tilespmem:$0x18200] =	vst v63  }
0xcd: {  	s4 =	simm.s32 $0x1A00  }
0xce: {  	[tilespmem:s4], [sflag:$0x1] =	stream.indirect_vreg.gather [hbm4b:s2+s3], $0x80, v3, vm0, $0xb8;
	[tilespmem:$0x18200] =	vst v63  }
0xcf: {  	s1 =	simm.s32 $0x2200  }
0xd0: {  	[tilespmem:s1], [sflag:$0x1] =	stream.indirect_vreg.gather [hbm4b:s5+s3], $0x80, v3, vm0, $0xb8;
	[tilespmem:$0x18200] =	vst v63  }
0xd1: {  	s18 =	simm.s32 $0x2A00  }
0xd2: {  	[tilespmem:s18], [sflag:$0x1] =	stream.indirect_vreg.gather [hbm4b:s6+s3], $0x80, v3, vm0, $0xb8;
	[tilespmem:$0x18200] =	vst v63  }
0xd3: {  	v3 =	vld [tilespmem:$0x90];
	_ =	sdelay $0x4  }
0xd4: {  	v41 =	vshrl.u32 v3, $0x3  }
0xd5: {  	v4 =	vmul.u32 $0x30, v41  }
0xd6: {  	v3 =	vand.u32 $0x7, v3  }
0xd7: {  	v3 =	vor.u32 v3, v4  }
0xd8: {  	v4 =	vperm.xlane v3, v0;
	_ =	sdelay $0x1  }
0xd9: {  	v4 =	vadd.s32 v1, v4;
	_ =	sdelay $0x3  }
0xda: {  	s20 =	simm.s32 $0x3200;
	v3 =	vperm.xlane v3, v2  }
0xdb: {  	[tilespmem:s20], [sflag:$0x1] =	stream.indirect_vreg.gather [hbm4b:s2+s3], $0x80, v4, vm0, $0xb8;
	[tilespmem:$0x18200] =	vst v63  }
0xdc: {  	s19 =	simm.s32 $0x3A00;
	v3 =	vadd.s32 v1, v3  }
0xdd: {  	[tilespmem:s19], [sflag:$0x1] =	stream.indirect_vreg.gather [hbm4b:s5+s3], $0x80, v4, vm0, $0xb8;
	[tilespmem:$0x18200] =	vst v63  }
0xde: {  	s4 =	simm.s32 $0x4200  }
0xdf: {  	[tilespmem:s4], [sflag:$0x1] =	stream.indirect_vreg.gather [hbm4b:s6+s3], $0x80, v4, vm0, $0xb8;
	[tilespmem:$0x18200] =	vst v63  }
0xe0: {  	s18 =	simm.s32 $0x4A00  }
0xe1: {  	[tilespmem:s18], [sflag:$0x1] =	stream.indirect_vreg.gather [hbm4b:s2+s3], $0x80, v3, vm0, $0xb8;
	[tilespmem:$0x18200] =	vst v63  }
0xe2: {  	s20 =	simm.s32 $0x5200  }
0xe3: {  	[tilespmem:s20], [sflag:$0x1] =	stream.indirect_vreg.gather [hbm4b:s5+s3], $0x80, v3, vm0, $0xb8;
	[tilespmem:$0x18200] =	vst v63  }
0xe4: {  	s29 =	simm.s32 $0x5A00  }
0xe5: {  	[tilespmem:s29], [sflag:$0x1] =	stream.indirect_vreg.gather [hbm4b:s6+s3], $0x80, v3, vm0, $0xb8;
	[tilespmem:$0x18200] =	vst v63  }
0xe6: {  	_ =	swait.ge [sflag:s11], $0x6000  }
0xe7: {  	[sflag:s11] =	ssyncset.done $0x0  }
0xe8: {  	s22 =	simm.s32 $0x6200;
	s19 =	rddreg [dreg:$0x5];
	[sflag:s11] =	ssyncadd.s32 $0xFFFFA000  }
0xe9: {  	[hbm4b:s19+s3] =	stream.linear.scatter [tilespmem:s22], [sflag:$0x6], $0x6000, $0x38;
	[tilespmem:$0x18200] =	vst v63  }
0xea: {  	_ =	swait.ge [sflag:s12], $0x6000  }
0xeb: {  	[sflag:s12] =	ssyncset.done $0x0  }
0xec: {  	[sflag:s12] =	ssyncadd.s32 $0xFFFFA000  }
0xed: {  	v3 =	vld [tilespmem:$0xA0];
	_ =	sdelay $0x4  }
0xee: {  	v42 =	vshrl.u32 v3, $0x3  }
0xef: {  	v4 =	vmul.u32 $0x30, v42  }
0xf0: {  	v3 =	vand.u32 $0x7, v3  }
0xf1: {  	v3 =	vor.u32 v3, v4  }
0xf2: {  	v4 =	vperm.xlane v3, v0;
	_ =	sdelay $0x1  }
0xf3: {  	v4 =	vadd.s32 v1, v4;
	_ =	sdelay $0x3  }
0xf4: {  	v3 =	vperm.xlane v3, v2  }
0xf5: {  	[tilespmem:s22], [sflag:$0x2] =	stream.indirect_vreg.gather [hbm4b:s2+s3], $0x80, v4, vm0, $0xb8;
	[tilespmem:$0x18200] =	vst v63  }
0xf6: {  	s24 =	simm.s32 $0x6A00;
	v3 =	vadd.s32 v1, v3  }
0xf7: {  	[tilespmem:s24], [sflag:$0x2] =	stream.indirect_vreg.gather [hbm4b:s5+s3], $0x80, v4, vm0, $0xb8;
	[tilespmem:$0x18200] =	vst v63  }
0xf8: {  	s25 =	simm.s32 $0x7200  }
0xf9: {  	[tilespmem:s25], [sflag:$0x2] =	stream.indirect_vreg.gather [hbm4b:s6+s3], $0x80, v4, vm0, $0xb8;
	[tilespmem:$0x18200] =	vst v63  }
0xfa: {  	s23 =	simm.s32 $0x7A00  }
0xfb: {  	[tilespmem:s23], [sflag:$0x2] =	stream.indirect_vreg.gather [hbm4b:s2+s3], $0x80, v3, vm0, $0xb8;
	[tilespmem:$0x18200] =	vst v63  }
0xfc: {  	s26 =	simm.s32 $0x8200  }
0xfd: {  	[tilespmem:s26], [sflag:$0x2] =	stream.indirect_vreg.gather [hbm4b:s5+s3], $0x80, v3, vm0, $0xb8;
	[tilespmem:$0x18200] =	vst v63  }
0xfe: {  	s21 =	simm.s32 $0x8A00  }
0xff: {  	[tilespmem:s21], [sflag:$0x2] =	stream.indirect_vreg.gather [hbm4b:s6+s3], $0x80, v3, vm0, $0xb8;
	[tilespmem:$0x18200] =	vst v63  }
0x100: {  	v3 =	vld [tilespmem:$0xB0];
	_ =	sdelay $0x4  }
0x101: {  	v43 =	vshrl.u32 v3, $0x3  }
0x102: {  	v4 =	vmul.u32 $0x30, v43  }
0x103: {  	v3 =	vand.u32 $0x7, v3  }
0x104: {  	v3 =	vor.u32 v3, v4  }
0x105: {  	v4 =	vperm.xlane v3, v0;
	_ =	sdelay $0x1  }
0x106: {  	v4 =	vadd.s32 v1, v4;
	_ =	sdelay $0x3  }
0x107: {  	s30 =	simm.s32 $0x9200;
	v3 =	vperm.xlane v3, v2  }
0x108: {  	[tilespmem:s30], [sflag:$0x2] =	stream.indirect_vreg.gather [hbm4b:s2+s3], $0x80, v4, vm0, $0xb8;
	[tilespmem:$0x18200] =	vst v63  }
0x109: {  	s28 =	simm.s32 $0x9A00;
	v3 =	vadd.s32 v1, v3  }
0x10a: {  	[tilespmem:s28], [sflag:$0x2] =	stream.indirect_vreg.gather [hbm4b:s5+s3], $0x80, v4, vm0, $0xb8;
	[tilespmem:$0x18200] =	vst v63  }
0x10b: {  	s30 =	simm.s32 $0xA200  }
0x10c: {  	[tilespmem:s30], [sflag:$0x2] =	stream.indirect_vreg.gather [hbm4b:s6+s3], $0x80, v4, vm0, $0xb8;
	[tilespmem:$0x18200] =	vst v63  }
0x10d: {  	s31 =	simm.s32 $0xAA00  }
0x10e: {  	[tilespmem:s31], [sflag:$0x2] =	stream.indirect_vreg.gather [hbm4b:s2+s3], $0x80, v3, vm0, $0xb8;
	[tilespmem:$0x18200] =	vst v63  }
0x10f: {  	s19 =	simm.s32 $0xB200  }
0x110: {  	[tilespmem:s19], [sflag:$0x2] =	stream.indirect_vreg.gather [hbm4b:s5+s3], $0x80, v3, vm0, $0xb8;
	[tilespmem:$0x18200] =	vst v63  }
0x111: {  	s22 =	simm.s32 $0xBA00  }
0x112: {  	[tilespmem:s22], [sflag:$0x2] =	stream.indirect_vreg.gather [hbm4b:s6+s3], $0x80, v3, vm0, $0xb8;
	[tilespmem:$0x18200] =	vst v63  }
0x113: {  	_ =	swait.ge [sflag:s13], $0x6000  }
0x114: {  	[sflag:s13] =	ssyncset.done $0x0  }
0x115: {  	s25 =	simm.s32 $0xC200;
	s24 =	rddreg [dreg:$0x6];
	[sflag:s13] =	ssyncadd.s32 $0xFFFFA000  }
0x116: {  	[hbm4b:s24+s3] =	stream.linear.scatter [tilespmem:s25], [sflag:$0x7], $0x6000, $0x38;
	[tilespmem:$0x18200] =	vst v63  }
0x117: {  	_ =	swait.ge [sflag:s14], $0x6000  }
0x118: {  	[sflag:s14] =	ssyncset.done $0x0  }
0x119: {  	[sflag:s14] =	ssyncadd.s32 $0xFFFFA000  }
0x11a: {  	v3 =	vld [tilespmem:$0xC0];
	_ =	sdelay $0x4  }
0x11b: {  	v44 =	vshrl.u32 v3, $0x3  }
0x11c: {  	v4 =	vmul.u32 $0x30, v44  }
0x11d: {  	v3 =	vand.u32 $0x7, v3  }
0x11e: {  	v3 =	vor.u32 v3, v4  }
0x11f: {  	v4 =	vperm.xlane v3, v0;
	_ =	sdelay $0x1  }
0x120: {  	v4 =	vadd.s32 v1, v4;
	_ =	sdelay $0x3  }
0x121: {  	v3 =	vperm.xlane v3, v2  }
0x122: {  	[tilespmem:s25], [sflag:$0x3] =	stream.indirect_vreg.gather [hbm4b:s2+s3], $0x80, v4, vm0, $0xb8;
	[tilespmem:$0x18200] =	vst v63  }
0x123: {  	s29 =	simm.s32 $0xCA00;
	v3 =	vadd.s32 v1, v3  }
0x124: {  	[tilespmem:s29], [sflag:$0x3] =	stream.indirect_vreg.gather [hbm4b:s5+s3], $0x80, v4, vm0, $0xb8;
	[tilespmem:$0x18200] =	vst v63  }
0x125: {  	s1 =	simm.s32 $0xD200  }
0x126: {  	[tilespmem:s1], [sflag:$0x3] =	stream.indirect_vreg.gather [hbm4b:s6+s3], $0x80, v4, vm0, $0xb8;
	[tilespmem:$0x18200] =	vst v63  }
0x127: {  	s21 =	simm.s32 $0xDA00  }
0x128: {  	[tilespmem:s21], [sflag:$0x3] =	stream.indirect_vreg.gather [hbm4b:s2+s3], $0x80, v3, vm0, $0xb8;
	[tilespmem:$0x18200] =	vst v63  }
0x129: {  	s23 =	simm.s32 $0xE200  }
0x12a: {  	[tilespmem:s23], [sflag:$0x3] =	stream.indirect_vreg.gather [hbm4b:s5+s3], $0x80, v3, vm0, $0xb8;
	[tilespmem:$0x18200] =	vst v63  }
0x12b: {  	s26 =	simm.s32 $0xEA00  }
0x12c: {  	[tilespmem:s26], [sflag:$0x3] =	stream.indirect_vreg.gather [hbm4b:s6+s3], $0x80, v3, vm0, $0xb8;
	[tilespmem:$0x18200] =	vst v63  }
0x12d: {  	v3 =	vld [tilespmem:$0xD0];
	_ =	sdelay $0x4  }
0x12e: {  	v45 =	vshrl.u32 v3, $0x3  }
0x12f: {  	v4 =	vmul.u32 $0x30, v45  }
0x130: {  	v3 =	vand.u32 $0x7, v3  }
0x131: {  	v3 =	vor.u32 v3, v4  }
0x132: {  	v4 =	vperm.xlane v3, v0;
	_ =	sdelay $0x1  }
0x133: {  	v4 =	vadd.s32 v1, v4;
	_ =	sdelay $0x3  }
0x134: {  	s28 =	simm.s32 $0xF200;
	v3 =	vperm.xlane v3, v2  }
0x135: {  	[tilespmem:s28], [sflag:$0x3] =	stream.indirect_vreg.gather [hbm4b:s2+s3], $0x80, v4, vm0, $0xb8;
	[tilespmem:$0x18200] =	vst v63  }
0x136: {  	s24 =	simm.s32 $0xFA00;
	v3 =	vadd.s32 v1, v3  }
0x137: {  	[tilespmem:s24], [sflag:$0x3] =	stream.indirect_vreg.gather [hbm4b:s5+s3], $0x80, v4, vm0, $0xb8;
	[tilespmem:$0x18200] =	vst v63  }
0x138: {  	s25 =	simm.s32 $0x10200  }
0x139: {  	[tilespmem:s25], [sflag:$0x3] =	stream.indirect_vreg.gather [hbm4b:s6+s3], $0x80, v4, vm0, $0xb8;
	[tilespmem:$0x18200] =	vst v63  }
0x13a: {  	s26 =	simm.s32 $0x10A00  }
0x13b: {  	[tilespmem:s26], [sflag:$0x3] =	stream.indirect_vreg.gather [hbm4b:s2+s3], $0x80, v3, vm0, $0xb8;
	[tilespmem:$0x18200] =	vst v63  }
0x13c: {  	s28 =	simm.s32 $0x11200  }
0x13d: {  	[tilespmem:s28], [sflag:$0x3] =	stream.indirect_vreg.gather [hbm4b:s5+s3], $0x80, v3, vm0, $0xb8;
	[tilespmem:$0x18200] =	vst v63  }
0x13e: {  	s17 =	simm.s32 $0x11A00  }
0x13f: {  	[tilespmem:s17], [sflag:$0x3] =	stream.indirect_vreg.gather [hbm4b:s6+s3], $0x80, v3, vm0, $0xb8;
	[tilespmem:$0x18200] =	vst v63  }
0x140: {  	_ =	swait.ge [sflag:s15], $0x6000  }
0x141: {  	[sflag:s15] =	ssyncset.done $0x0  }
0x142: {  	s0 =	rddreg [dreg:$0x7];
	[sflag:s15] =	ssyncadd.s32 $0xFFFFA000  }
0x143: {  	[hbm4b:s0+s3] =	stream.linear.scatter [tilespmem:s8], [sflag:$0x8], $0x6000, $0x38;
	[tilespmem:$0x18200] =	vst v63  }
0x144: {  	_ =	swait.ge [sflag:s16], $0x6000  }
0x145: {  	[sflag:s16] =	ssyncset.done $0x0  }
0x146: {  	[sflag:s16] =	ssyncadd.s32 $0xFFFFA000  }
0x147: {  	v3 =	vld [tilespmem:$0xE0];
	_ =	sdelay $0x4  }
0x148: {  	v46 =	vshrl.u32 v3, $0x3  }
0x149: {  	v4 =	vmul.u32 $0x30, v46  }
0x14a: {  	v3 =	vand.u32 $0x7, v3  }
0x14b: {  	v3 =	vor.u32 v3, v4  }
0x14c: {  	v4 =	vperm.xlane v3, v0;
	_ =	sdelay $0x1  }
0x14d: {  	v4 =	vadd.s32 v1, v4;
	_ =	sdelay $0x3  }
0x14e: {  	v3 =	vperm.xlane v3, v2  }
0x14f: {  	[tilespmem:s8], [sflag:$0x4] =	stream.indirect_vreg.gather [hbm4b:s2+s3], $0x80, v4, vm0, $0xb8;
	[tilespmem:$0x18200] =	vst v63  }
0x150: {  	s17 =	simm.s32 $0x12A00;
	v3 =	vadd.s32 v1, v3  }
0x151: {  	[tilespmem:s17], [sflag:$0x4] =	stream.indirect_vreg.gather [hbm4b:s5+s3], $0x80, v4, vm0, $0xb8;
	[tilespmem:$0x18200] =	vst v63  }
0x152: {  	s17 =	simm.s32 $0x13200  }
0x153: {  	[tilespmem:s17], [sflag:$0x4] =	stream.indirect_vreg.gather [hbm4b:s6+s3], $0x80, v4, vm0, $0xb8;
	[tilespmem:$0x18200] =	vst v63  }
0x154: {  	s17 =	simm.s32 $0x13A00  }
0x155: {  	[tilespmem:s17], [sflag:$0x4] =	stream.indirect_vreg.gather [hbm4b:s2+s3], $0x80, v3, vm0, $0xb8;
	[tilespmem:$0x18200] =	vst v63  }
0x156: {  	s17 =	simm.s32 $0x14200  }
0x157: {  	[tilespmem:s17], [sflag:$0x4] =	stream.indirect_vreg.gather [hbm4b:s5+s3], $0x80, v3, vm0, $0xb8;
	[tilespmem:$0x18200] =	vst v63  }
0x158: {  	s17 =	simm.s32 $0x14A00  }
0x159: {  	[tilespmem:s17], [sflag:$0x4] =	stream.indirect_vreg.gather [hbm4b:s6+s3], $0x80, v3, vm0, $0xb8;
	[tilespmem:$0x18200] =	vst v63  }
0x15a: {  	v3 =	vld [tilespmem:$0xF0];
	_ =	sdelay $0x4  }
0x15b: {  	v47 =	vshrl.u32 v3, $0x3  }
0x15c: {  	v4 =	vmul.u32 $0x30, v47  }
0x15d: {  	v3 =	vand.u32 $0x7, v3  }
0x15e: {  	v3 =	vor.u32 v3, v4  }
0x15f: {  	v4 =	vperm.xlane v3, v0;
	_ =	sdelay $0x1  }
0x160: {  	v4 =	vadd.s32 v1, v4;
	_ =	sdelay $0x3  }
0x161: {  	s17 =	simm.s32 $0x15200;
	v3 =	vperm.xlane v3, v2  }
0x162: {  	[tilespmem:s17], [sflag:$0x4] =	stream.indirect_vreg.gather [hbm4b:s2+s3], $0x80, v4, vm0, $0xb8;
	[tilespmem:$0x18200] =	vst v63  }
0x163: {  	v3 =	vadd.s32 v1, v3;
	s17 =	simm.s32 $0x15A00  }
0x164: {  	[tilespmem:s17], [sflag:$0x4] =	stream.indirect_vreg.gather [hbm4b:s5+s3], $0x80, v4, vm0, $0xb8;
	[tilespmem:$0x18200] =	vst v63  }
0x165: {  	s17 =	simm.s32 $0x16200  }
0x166: {  	[tilespmem:s17], [sflag:$0x4] =	stream.indirect_vreg.gather [hbm4b:s6+s3], $0x80, v4, vm0, $0xb8;
	[tilespmem:$0x18200] =	vst v63  }
0x167: {  	s17 =	simm.s32 $0x16A00  }
0x168: {  	[tilespmem:s17], [sflag:$0x4] =	stream.indirect_vreg.gather [hbm4b:s2+s3], $0x80, v3, vm0, $0xb8;
	[tilespmem:$0x18200] =	vst v63  }
0x169: {  	s17 =	simm.s32 $0x17200  }
0x16a: {  	[tilespmem:s17], [sflag:$0x4] =	stream.indirect_vreg.gather [hbm4b:s5+s3], $0x80, v3, vm0, $0xb8;
	[tilespmem:$0x18200] =	vst v63  }
0x16b: {  	s17 =	simm.s32 $0x17A00  }
0x16c: {  	[tilespmem:s17], [sflag:$0x4] =	stream.indirect_vreg.gather [hbm4b:s6+s3], $0x80, v3, vm0, $0xb8;
	[tilespmem:$0x18200] =	vst v63  }
0x16d: {  	_ =	swait.ge [sflag:s9], $0x6000  }
0x16e: {  	[sflag:s9] =	ssyncset.done $0x0  }
0x16f: {  	s0 =	simm.s32 $0x200;
	s17 =	rddreg [dreg:$0x8];
	[sflag:s9] =	ssyncadd.s32 $0xFFFFA000  }
0x170: {  	[hbm4b:s17+s3] =	stream.linear.scatter [tilespmem:s0], [sflag:$0x5], $0x6000, $0x38;
	[tilespmem:$0x18200] =	vst v63  }
0x171: {  	_ =	swait.ge [sflag:s10], $0x6000  }
0x172: {  	[sflag:s10] =	ssyncset.done $0x0  }
0x173: {  	[sflag:s10] =	ssyncadd.s32 $0xFFFFA000  }
0x174: {  	v3 =	vld [tilespmem:$0x100];
	_ =	sdelay $0x4  }
0x175: {  	v48 =	vshrl.u32 v3, $0x3  }
0x176: {  	v4 =	vmul.u32 $0x30, v48  }
0x177: {  	v3 =	vand.u32 $0x7, v3  }
0x178: {  	v3 =	vor.u32 v3, v4  }
0x179: {  	v4 =	vperm.xlane v3, v0;
	_ =	sdelay $0x1  }
0x17a: {  	v4 =	vadd.s32 v1, v4;
	_ =	sdelay $0x3  }
0x17b: {  	v3 =	vperm.xlane v3, v2  }
0x17c: {  	[tilespmem:s0], [sflag:$0x1] =	stream.indirect_vreg.gather [hbm4b:s2+s3], $0x80, v4, vm0, $0xb8;
	[tilespmem:$0x18200] =	vst v63  }
0x17d: {  	s17 =	simm.s32 $0xA00;
	v3 =	vadd.s32 v1, v3  }
0x17e: {  	[tilespmem:s17], [sflag:$0x1] =	stream.indirect_vreg.gather [hbm4b:s5+s3], $0x80, v4, vm0, $0xb8;
	[tilespmem:$0x18200] =	vst v63  }
0x17f: {  	s17 =	simm.s32 $0x1200  }
0x180: {  	[tilespmem:s17], [sflag:$0x1] =	stream.indirect_vreg.gather [hbm4b:s6+s3], $0x80, v4, vm0, $0xb8;
	[tilespmem:$0x18200] =	vst v63  }
0x181: {  	s17 =	simm.s32 $0x1A00  }
0x182: {  	[tilespmem:s17], [sflag:$0x1] =	stream.indirect_vreg.gather [hbm4b:s2+s3], $0x80, v3, vm0, $0xb8;
	[tilespmem:$0x18200] =	vst v63  }
0x183: {  	s17 =	simm.s32 $0x2200  }
0x184: {  	[tilespmem:s17], [sflag:$0x1] =	stream.indirect_vreg.gather [hbm4b:s5+s3], $0x80, v3, vm0, $0xb8;
	[tilespmem:$0x18200] =	vst v63  }
0x185: {  	s17 =	simm.s32 $0x2A00  }
0x186: {  	[tilespmem:s17], [sflag:$0x1] =	stream.indirect_vreg.gather [hbm4b:s6+s3], $0x80, v3, vm0, $0xb8;
	[tilespmem:$0x18200] =	vst v63  }
0x187: {  	v3 =	vld [tilespmem:$0x110];
	_ =	sdelay $0x4  }
0x188: {  	v49 =	vshrl.u32 v3, $0x3  }
0x189: {  	v4 =	vmul.u32 $0x30, v49  }
0x18a: {  	v3 =	vand.u32 $0x7, v3  }
0x18b: {  	v3 =	vor.u32 v3, v4  }
0x18c: {  	v4 =	vperm.xlane v3, v0;
	_ =	sdelay $0x1  }
0x18d: {  	v4 =	vadd.s32 v1, v4;
	_ =	sdelay $0x3  }
0x18e: {  	s17 =	simm.s32 $0x3200;
	v3 =	vperm.xlane v3, v2  }
0x18f: {  	[tilespmem:s17], [sflag:$0x1] =	stream.indirect_vreg.gather [hbm4b:s2+s3], $0x80, v4, vm0, $0xb8;
	[tilespmem:$0x18200] =	vst v63  }
0x190: {  	v3 =	vadd.s32 v1, v3;
	s17 =	simm.s32 $0x3A00  }
0x191: {  	[tilespmem:s17], [sflag:$0x1] =	stream.indirect_vreg.gather [hbm4b:s5+s3], $0x80, v4, vm0, $0xb8;
	[tilespmem:$0x18200] =	vst v63  }
0x192: {  	_ = 	snop  }
0x193: {  	[tilespmem:s4], [sflag:$0x1] =	stream.indirect_vreg.gather [hbm4b:s6+s3], $0x80, v4, vm0, $0xb8;
	[tilespmem:$0x18200] =	vst v63  }
0x194: {  	_ = 	snop  }
0x195: {  	[tilespmem:s18], [sflag:$0x1] =	stream.indirect_vreg.gather [hbm4b:s2+s3], $0x80, v3, vm0, $0xb8;
	[tilespmem:$0x18200] =	vst v63  }
0x196: {  	_ = 	snop  }
0x197: {  	[tilespmem:s20], [sflag:$0x1] =	stream.indirect_vreg.gather [hbm4b:s5+s3], $0x80, v3, vm0, $0xb8;
	[tilespmem:$0x18200] =	vst v63  }
0x198: {  	s18 =	simm.s32 $0x5A00  }
0x199: {  	[tilespmem:s18], [sflag:$0x1] =	stream.indirect_vreg.gather [hbm4b:s6+s3], $0x80, v3, vm0, $0xb8;
	[tilespmem:$0x18200] =	vst v63  }
0x19a: {  	_ =	swait.ge [sflag:s11], $0x6000  }
0x19b: {  	[sflag:s11] =	ssyncset.done $0x0  }
0x19c: {  	s4 =	simm.s32 $0x6200;
	s0 =	rddreg [dreg:$0x9];
	[sflag:s11] =	ssyncadd.s32 $0xFFFFA000  }
0x19d: {  	[hbm4b:s0+s3] =	stream.linear.scatter [tilespmem:s4], [sflag:$0x6], $0x6000, $0x38;
	[tilespmem:$0x18200] =	vst v63  }
0x19e: {  	_ =	swait.ge [sflag:s12], $0x6000  }
0x19f: {  	[sflag:s12] =	ssyncset.done $0x0  }
0x1a0: {  	[sflag:s12] =	ssyncadd.s32 $0xFFFFA000  }
0x1a1: {  	v3 =	vld [tilespmem:$0x120];
	_ =	sdelay $0x4  }
0x1a2: {  	v50 =	vshrl.u32 v3, $0x3  }
0x1a3: {  	v4 =	vmul.u32 $0x30, v50  }
0x1a4: {  	v3 =	vand.u32 $0x7, v3  }
0x1a5: {  	v3 =	vor.u32 v3, v4  }
0x1a6: {  	v4 =	vperm.xlane v3, v0;
	_ =	sdelay $0x1  }
0x1a7: {  	v4 =	vadd.s32 v1, v4;
	_ =	sdelay $0x3  }
0x1a8: {  	v3 =	vperm.xlane v3, v2  }
0x1a9: {  	[tilespmem:s4], [sflag:$0x2] =	stream.indirect_vreg.gather [hbm4b:s2+s3], $0x80, v4, vm0, $0xb8;
	[tilespmem:$0x18200] =	vst v63  }
0x1aa: {  	s17 =	simm.s32 $0x6A00;
	v3 =	vadd.s32 v1, v3  }
0x1ab: {  	[tilespmem:s17], [sflag:$0x2] =	stream.indirect_vreg.gather [hbm4b:s5+s3], $0x80, v4, vm0, $0xb8;
	[tilespmem:$0x18200] =	vst v63  }
0x1ac: {  	s4 =	simm.s32 $0x7200  }
0x1ad: {  	[tilespmem:s4], [sflag:$0x2] =	stream.indirect_vreg.gather [hbm4b:s6+s3], $0x80, v4, vm0, $0xb8;
	[tilespmem:$0x18200] =	vst v63  }
0x1ae: {  	s17 =	simm.s32 $0x7A00  }
0x1af: {  	[tilespmem:s17], [sflag:$0x2] =	stream.indirect_vreg.gather [hbm4b:s2+s3], $0x80, v3, vm0, $0xb8;
	[tilespmem:$0x18200] =	vst v63  }
0x1b0: {  	s4 =	simm.s32 $0x8200  }
0x1b1: {  	[tilespmem:s4], [sflag:$0x2] =	stream.indirect_vreg.gather [hbm4b:s5+s3], $0x80, v3, vm0, $0xb8;
	[tilespmem:$0x18200] =	vst v63  }
0x1b2: {  	s17 =	simm.s32 $0x8A00  }
0x1b3: {  	[tilespmem:s17], [sflag:$0x2] =	stream.indirect_vreg.gather [hbm4b:s6+s3], $0x80, v3, vm0, $0xb8;
	[tilespmem:$0x18200] =	vst v63  }
0x1b4: {  	v3 =	vld [tilespmem:$0x130];
	_ =	sdelay $0x4  }
0x1b5: {  	v51 =	vshrl.u32 v3, $0x3  }
0x1b6: {  	v4 =	vmul.u32 $0x30, v51  }
0x1b7: {  	v3 =	vand.u32 $0x7, v3  }
0x1b8: {  	v3 =	vor.u32 v3, v4  }
0x1b9: {  	v4 =	vperm.xlane v3, v0;
	_ =	sdelay $0x1  }
0x1ba: {  	v4 =	vadd.s32 v1, v4;
	_ =	sdelay $0x3  }
0x1bb: {  	s4 =	simm.s32 $0x9200;
	v3 =	vperm.xlane v3, v2  }
0x1bc: {  	[tilespmem:s4], [sflag:$0x2] =	stream.indirect_vreg.gather [hbm4b:s2+s3], $0x80, v4, vm0, $0xb8;
	[tilespmem:$0x18200] =	vst v63  }
0x1bd: {  	s17 =	simm.s32 $0x9A00;
	v3 =	vadd.s32 v1, v3  }
0x1be: {  	[tilespmem:s17], [sflag:$0x2] =	stream.indirect_vreg.gather [hbm4b:s5+s3], $0x80, v4, vm0, $0xb8;
	[tilespmem:$0x18200] =	vst v63  }
0x1bf: {  	_ = 	snop  }
0x1c0: {  	[tilespmem:s30], [sflag:$0x2] =	stream.indirect_vreg.gather [hbm4b:s6+s3], $0x80, v4, vm0, $0xb8;
	[tilespmem:$0x18200] =	vst v63  }
0x1c1: {  	_ = 	snop  }
0x1c2: {  	[tilespmem:s31], [sflag:$0x2] =	stream.indirect_vreg.gather [hbm4b:s2+s3], $0x80, v3, vm0, $0xb8;
	[tilespmem:$0x18200] =	vst v63  }
0x1c3: {  	_ = 	snop  }
0x1c4: {  	[tilespmem:s19], [sflag:$0x2] =	stream.indirect_vreg.gather [hbm4b:s5+s3], $0x80, v3, vm0, $0xb8;
	[tilespmem:$0x18200] =	vst v63  }
0x1c5: {  	_ = 	snop  }
0x1c6: {  	[tilespmem:s22], [sflag:$0x2] =	stream.indirect_vreg.gather [hbm4b:s6+s3], $0x80, v3, vm0, $0xb8;
	[tilespmem:$0x18200] =	vst v63  }
0x1c7: {  	_ =	swait.ge [sflag:s13], $0x6000  }
0x1c8: {  	[sflag:s13] =	ssyncset.done $0x0  }
0x1c9: {  	s4 =	simm.s32 $0xC200;
	s0 =	rddreg [dreg:$0xa];
	[sflag:s13] =	ssyncadd.s32 $0xFFFFA000  }
0x1ca: {  	[hbm4b:s0+s3] =	stream.linear.scatter [tilespmem:s4], [sflag:$0x7], $0x6000, $0x38;
	[tilespmem:$0x18200] =	vst v63  }
0x1cb: {  	_ =	swait.ge [sflag:s14], $0x6000  }
0x1cc: {  	[sflag:s14] =	ssyncset.done $0x0  }
0x1cd: {  	[sflag:s14] =	ssyncadd.s32 $0xFFFFA000  }
0x1ce: {  	v3 =	vld [tilespmem:$0x140];
	_ =	sdelay $0x4  }
0x1cf: {  	v52 =	vshrl.u32 v3, $0x3  }
0x1d0: {  	v4 =	vmul.u32 $0x30, v52  }
0x1d1: {  	v3 =	vand.u32 $0x7, v3  }
0x1d2: {  	v3 =	vor.u32 v3, v4  }
0x1d3: {  	v4 =	vperm.xlane v3, v0;
	_ =	sdelay $0x1  }
0x1d4: {  	v4 =	vadd.s32 v1, v4;
	_ =	sdelay $0x3  }
0x1d5: {  	v3 =	vperm.xlane v3, v2  }
0x1d6: {  	[tilespmem:s4], [sflag:$0x3] =	stream.indirect_vreg.gather [hbm4b:s2+s3], $0x80, v4, vm0, $0xb8;
	[tilespmem:$0x18200] =	vst v63  }
0x1d7: {  	v3 =	vadd.s32 v1, v3  }
0x1d8: {  	[tilespmem:s29], [sflag:$0x3] =	stream.indirect_vreg.gather [hbm4b:s5+s3], $0x80, v4, vm0, $0xb8;
	[tilespmem:$0x18200] =	vst v63  }
0x1d9: {  	_ = 	snop  }
0x1da: {  	[tilespmem:s1], [sflag:$0x3] =	stream.indirect_vreg.gather [hbm4b:s6+s3], $0x80, v4, vm0, $0xb8;
	[tilespmem:$0x18200] =	vst v63  }
0x1db: {  	_ = 	snop  }
0x1dc: {  	[tilespmem:s21], [sflag:$0x3] =	stream.indirect_vreg.gather [hbm4b:s2+s3], $0x80, v3, vm0, $0xb8;
	[tilespmem:$0x18200] =	vst v63  }
0x1dd: {  	_ = 	snop  }
0x1de: {  	[tilespmem:s23], [sflag:$0x3] =	stream.indirect_vreg.gather [hbm4b:s5+s3], $0x80, v3, vm0, $0xb8;
	[tilespmem:$0x18200] =	vst v63  }
0x1df: {  	s17 =	simm.s32 $0xEA00  }
0x1e0: {  	[tilespmem:s17], [sflag:$0x3] =	stream.indirect_vreg.gather [hbm4b:s6+s3], $0x80, v3, vm0, $0xb8;
	[tilespmem:$0x18200] =	vst v63  }
0x1e1: {  	v3 =	vld [tilespmem:$0x150];
	_ =	sdelay $0x4  }
0x1e2: {  	v53 =	vshrl.u32 v3, $0x3  }
0x1e3: {  	v4 =	vmul.u32 $0x30, v53  }
0x1e4: {  	v3 =	vand.u32 $0x7, v3  }
0x1e5: {  	v3 =	vor.u32 v3, v4  }
0x1e6: {  	v4 =	vperm.xlane v3, v0;
	_ =	sdelay $0x1  }
0x1e7: {  	v4 =	vadd.s32 v1, v4;
	_ =	sdelay $0x3  }
0x1e8: {  	s1 =	simm.s32 $0xF200;
	v3 =	vperm.xlane v3, v2  }
0x1e9: {  	[tilespmem:s1], [sflag:$0x3] =	stream.indirect_vreg.gather [hbm4b:s2+s3], $0x80, v4, vm0, $0xb8;
	[tilespmem:$0x18200] =	vst v63  }
0x1ea: {  	v3 =	vadd.s32 v1, v3  }
0x1eb: {  	[tilespmem:s24], [sflag:$0x3] =	stream.indirect_vreg.gather [hbm4b:s5+s3], $0x80, v4, vm0, $0xb8;
	[tilespmem:$0x18200] =	vst v63  }
0x1ec: {  	_ = 	snop  }
0x1ed: {  	[tilespmem:s25], [sflag:$0x3] =	stream.indirect_vreg.gather [hbm4b:s6+s3], $0x80, v4, vm0, $0xb8;
	[tilespmem:$0x18200] =	vst v63  }
0x1ee: {  	_ = 	snop  }
0x1ef: {  	[tilespmem:s26], [sflag:$0x3] =	stream.indirect_vreg.gather [hbm4b:s2+s3], $0x80, v3, vm0, $0xb8;
	[tilespmem:$0x18200] =	vst v63  }
0x1f0: {  	_ = 	snop  }
0x1f1: {  	[tilespmem:s28], [sflag:$0x3] =	stream.indirect_vreg.gather [hbm4b:s5+s3], $0x80, v3, vm0, $0xb8;
	[tilespmem:$0x18200] =	vst v63  }
0x1f2: {  	s17 =	simm.s32 $0x11A00  }
0x1f3: {  	[tilespmem:s17], [sflag:$0x3] =	stream.indirect_vreg.gather [hbm4b:s6+s3], $0x80, v3, vm0, $0xb8;
	[tilespmem:$0x18200] =	vst v63  }
0x1f4: {  	_ =	swait.ge [sflag:s15], $0x6000  }
0x1f5: {  	[sflag:s15] =	ssyncset.done $0x0  }
0x1f6: {  	s0 =	rddreg [dreg:$0xb];
	[sflag:s15] =	ssyncadd.s32 $0xFFFFA000  }
0x1f7: {  	[hbm4b:s0+s3] =	stream.linear.scatter [tilespmem:s8], [sflag:$0x8], $0x6000, $0x38;
	[tilespmem:$0x18200] =	vst v63  }
0x1f8: {  	_ =	swait.ge [sflag:s16], $0x6000  }
0x1f9: {  	[sflag:s16] =	ssyncset.done $0x0  }
0x1fa: {  	[sflag:s16] =	ssyncadd.s32 $0xFFFFA000  }
0x1fb: {  	v3 =	vld [tilespmem:$0x160];
	_ =	sdelay $0x4  }
0x1fc: {  	v54 =	vshrl.u32 v3, $0x3  }
0x1fd: {  	v4 =	vmul.u32 $0x30, v54  }
0x1fe: {  	v3 =	vand.u32 $0x7, v3  }
0x1ff: {  	v3 =	vor.u32 v3, v4  }
0x200: {  	v4 =	vperm.xlane v3, v0;
	_ =	sdelay $0x1  }
0x201: {  	v4 =	vadd.s32 v1, v4;
	_ =	sdelay $0x3  }
0x202: {  	v3 =	vperm.xlane v3, v2  }
0x203: {  	[tilespmem:s8], [sflag:$0x4] =	stream.indirect_vreg.gather [hbm4b:s2+s3], $0x80, v4, vm0, $0xb8;
	[tilespmem:$0x18200] =	vst v63  }
0x204: {  	s0 =	simm.s32 $0x12A00;
	v3 =	vadd.s32 v1, v3  }
0x205: {  	[tilespmem:s0], [sflag:$0x4] =	stream.indirect_vreg.gather [hbm4b:s5+s3], $0x80, v4, vm0, $0xb8;
	[tilespmem:$0x18200] =	vst v63  }
0x206: {  	s1 =	simm.s32 $0x13200  }
0x207: {  	[tilespmem:s1], [sflag:$0x4] =	stream.indirect_vreg.gather [hbm4b:s6+s3], $0x80, v4, vm0, $0xb8;
	[tilespmem:$0x18200] =	vst v63  }
0x208: {  	s1 =	simm.s32 $0x13A00  }
0x209: {  	[tilespmem:s1], [sflag:$0x4] =	stream.indirect_vreg.gather [hbm4b:s2+s3], $0x80, v3, vm0, $0xb8;
	[tilespmem:$0x18200] =	vst v63  }
0x20a: {  	s1 =	simm.s32 $0x14200  }
0x20b: {  	[tilespmem:s1], [sflag:$0x4] =	stream.indirect_vreg.gather [hbm4b:s5+s3], $0x80, v3, vm0, $0xb8;
	[tilespmem:$0x18200] =	vst v63  }
0x20c: {  	s1 =	simm.s32 $0x14A00  }
0x20d: {  	[tilespmem:s1], [sflag:$0x4] =	stream.indirect_vreg.gather [hbm4b:s6+s3], $0x80, v3, vm0, $0xb8;
	[tilespmem:$0x18200] =	vst v63  }
0x20e: {  	v3 =	vld [tilespmem:$0x170];
	_ =	sdelay $0x4  }
0x20f: {  	v55 =	vshrl.u32 v3, $0x3  }
0x210: {  	v4 =	vmul.u32 $0x30, v55  }
0x211: {  	v3 =	vand.u32 $0x7, v3  }
0x212: {  	v3 =	vor.u32 v3, v4  }
0x213: {  	v4 =	vperm.xlane v3, v0;
	_ =	sdelay $0x1  }
0x214: {  	v4 =	vadd.s32 v1, v4;
	_ =	sdelay $0x3  }
0x215: {  	s1 =	simm.s32 $0x15200;
	v3 =	vperm.xlane v3, v2  }
0x216: {  	[tilespmem:s1], [sflag:$0x4] =	stream.indirect_vreg.gather [hbm4b:s2+s3], $0x80, v4, vm0, $0xb8;
	[tilespmem:$0x18200] =	vst v63  }
0x217: {  	v3 =	vadd.s32 v1, v3;
	s1 =	simm.s32 $0x15A00  }
0x218: {  	[tilespmem:s1], [sflag:$0x4] =	stream.indirect_vreg.gather [hbm4b:s5+s3], $0x80, v4, vm0, $0xb8;
	[tilespmem:$0x18200] =	vst v63  }
0x219: {  	s1 =	simm.s32 $0x16200  }
0x21a: {  	[tilespmem:s1], [sflag:$0x4] =	stream.indirect_vreg.gather [hbm4b:s6+s3], $0x80, v4, vm0, $0xb8;
	[tilespmem:$0x18200] =	vst v63  }
0x21b: {  	s1 =	simm.s32 $0x16A00  }
0x21c: {  	[tilespmem:s1], [sflag:$0x4] =	stream.indirect_vreg.gather [hbm4b:s2+s3], $0x80, v3, vm0, $0xb8;
	[tilespmem:$0x18200] =	vst v63  }
0x21d: {  	s1 =	simm.s32 $0x17200  }
0x21e: {  	[tilespmem:s1], [sflag:$0x4] =	stream.indirect_vreg.gather [hbm4b:s5+s3], $0x80, v3, vm0, $0xb8;
	[tilespmem:$0x18200] =	vst v63  }
0x21f: {  	s1 =	simm.s32 $0x17A00  }
0x220: {  	[tilespmem:s1], [sflag:$0x4] =	stream.indirect_vreg.gather [hbm4b:s6+s3], $0x80, v3, vm0, $0xb8;
	[tilespmem:$0x18200] =	vst v63  }
0x221: {  	_ =	swait.ge [sflag:s9], $0x6000  }
0x222: {  	[sflag:s9] =	ssyncset.done $0x0  }
0x223: {  	s1 =	simm.s32 $0x200;
	s17 =	rddreg [dreg:$0xc];
	[sflag:s9] =	ssyncadd.s32 $0xFFFFA000  }
0x224: {  	[hbm4b:s17+s3] =	stream.linear.scatter [tilespmem:s1], [sflag:$0x5], $0x6000, $0x38;
	[tilespmem:$0x18200] =	vst v63  }
0x225: {  	_ =	swait.ge [sflag:s10], $0x6000  }
0x226: {  	[sflag:s10] =	ssyncset.done $0x0  }
0x227: {  	[sflag:s10] =	ssyncadd.s32 $0xFFFFA000  }
0x228: {  	v3 =	vld [tilespmem:$0x180];
	_ =	sdelay $0x4  }
0x229: {  	v56 =	vshrl.u32 v3, $0x3  }
0x22a: {  	v4 =	vmul.u32 $0x30, v56  }
0x22b: {  	v3 =	vand.u32 $0x7, v3  }
0x22c: {  	v3 =	vor.u32 v3, v4  }
0x22d: {  	v4 =	vperm.xlane v3, v0;
	_ =	sdelay $0x1  }
0x22e: {  	v4 =	vadd.s32 v1, v4;
	_ =	sdelay $0x3  }
0x22f: {  	v3 =	vperm.xlane v3, v2  }
0x230: {  	[tilespmem:s1], [sflag:$0x1] =	stream.indirect_vreg.gather [hbm4b:s2+s3], $0x80, v4, vm0, $0xb8;
	[tilespmem:$0x18200] =	vst v63  }
0x231: {  	s17 =	simm.s32 $0xA00;
	v3 =	vadd.s32 v1, v3  }
0x232: {  	[tilespmem:s17], [sflag:$0x1] =	stream.indirect_vreg.gather [hbm4b:s5+s3], $0x80, v4, vm0, $0xb8;
	[tilespmem:$0x18200] =	vst v63  }
0x233: {  	s17 =	simm.s32 $0x1200  }
0x234: {  	[tilespmem:s17], [sflag:$0x1] =	stream.indirect_vreg.gather [hbm4b:s6+s3], $0x80, v4, vm0, $0xb8;
	[tilespmem:$0x18200] =	vst v63  }
0x235: {  	s17 =	simm.s32 $0x1A00  }
0x236: {  	[tilespmem:s17], [sflag:$0x1] =	stream.indirect_vreg.gather [hbm4b:s2+s3], $0x80, v3, vm0, $0xb8;
	[tilespmem:$0x18200] =	vst v63  }
0x237: {  	s17 =	simm.s32 $0x2200  }
0x238: {  	[tilespmem:s17], [sflag:$0x1] =	stream.indirect_vreg.gather [hbm4b:s5+s3], $0x80, v3, vm0, $0xb8;
	[tilespmem:$0x18200] =	vst v63  }
0x239: {  	s17 =	simm.s32 $0x2A00  }
0x23a: {  	[tilespmem:s17], [sflag:$0x1] =	stream.indirect_vreg.gather [hbm4b:s6+s3], $0x80, v3, vm0, $0xb8;
	[tilespmem:$0x18200] =	vst v63  }
0x23b: {  	v3 =	vld [tilespmem:$0x190];
	_ =	sdelay $0x4  }
0x23c: {  	v57 =	vshrl.u32 v3, $0x3  }
0x23d: {  	v4 =	vmul.u32 $0x30, v57  }
0x23e: {  	v3 =	vand.u32 $0x7, v3  }
0x23f: {  	v3 =	vor.u32 v3, v4  }
0x240: {  	v4 =	vperm.xlane v3, v0;
	_ =	sdelay $0x1  }
0x241: {  	v4 =	vadd.s32 v1, v4;
	_ =	sdelay $0x3  }
0x242: {  	s17 =	simm.s32 $0x3200;
	v3 =	vperm.xlane v3, v2  }
0x243: {  	[tilespmem:s17], [sflag:$0x1] =	stream.indirect_vreg.gather [hbm4b:s2+s3], $0x80, v4, vm0, $0xb8;
	[tilespmem:$0x18200] =	vst v63  }
0x244: {  	v3 =	vadd.s32 v1, v3;
	s17 =	simm.s32 $0x3A00  }
0x245: {  	[tilespmem:s17], [sflag:$0x1] =	stream.indirect_vreg.gather [hbm4b:s5+s3], $0x80, v4, vm0, $0xb8;
	[tilespmem:$0x18200] =	vst v63  }
0x246: {  	s17 =	simm.s32 $0x4200  }
0x247: {  	[tilespmem:s17], [sflag:$0x1] =	stream.indirect_vreg.gather [hbm4b:s6+s3], $0x80, v4, vm0, $0xb8;
	[tilespmem:$0x18200] =	vst v63  }
0x248: {  	s17 =	simm.s32 $0x4A00  }
0x249: {  	[tilespmem:s17], [sflag:$0x1] =	stream.indirect_vreg.gather [hbm4b:s2+s3], $0x80, v3, vm0, $0xb8;
	[tilespmem:$0x18200] =	vst v63  }
0x24a: {  	s20 =	simm.s32 $0x5200  }
0x24b: {  	[tilespmem:s20], [sflag:$0x1] =	stream.indirect_vreg.gather [hbm4b:s5+s3], $0x80, v3, vm0, $0xb8;
	[tilespmem:$0x18200] =	vst v63  }
0x24c: {  	s20 =	simm.s32 $0x5A00  }
0x24d: {  	[tilespmem:s20], [sflag:$0x1] =	stream.indirect_vreg.gather [hbm4b:s6+s3], $0x80, v3, vm0, $0xb8;
	[tilespmem:$0x18200] =	vst v63  }
0x24e: {  	_ =	swait.ge [sflag:s11], $0x6000  }
0x24f: {  	[sflag:s11] =	ssyncset.done $0x0  }
0x250: {  	s18 =	simm.s32 $0x6200;
	s20 =	rddreg [dreg:$0xd];
	[sflag:s11] =	ssyncadd.s32 $0xFFFFA000  }
0x251: {  	[hbm4b:s20+s3] =	stream.linear.scatter [tilespmem:s18], [sflag:$0x6], $0x6000, $0x38;
	[tilespmem:$0x18200] =	vst v63  }
0x252: {  	_ =	swait.ge [sflag:s12], $0x6000  }
0x253: {  	[sflag:s12] =	ssyncset.done $0x0  }
0x254: {  	[sflag:s12] =	ssyncadd.s32 $0xFFFFA000  }
0x255: {  	v3 =	vld [tilespmem:$0x1A0];
	_ =	sdelay $0x4  }
0x256: {  	v58 =	vshrl.u32 v3, $0x3  }
0x257: {  	v4 =	vmul.u32 $0x30, v58  }
0x258: {  	v3 =	vand.u32 $0x7, v3  }
0x259: {  	v3 =	vor.u32 v3, v4  }
0x25a: {  	v4 =	vperm.xlane v3, v0;
	_ =	sdelay $0x1  }
0x25b: {  	v4 =	vadd.s32 v1, v4;
	_ =	sdelay $0x3  }
0x25c: {  	v3 =	vperm.xlane v3, v2  }
0x25d: {  	[tilespmem:s18], [sflag:$0x2] =	stream.indirect_vreg.gather [hbm4b:s2+s3], $0x80, v4, vm0, $0xb8;
	[tilespmem:$0x18200] =	vst v63  }
0x25e: {  	s20 =	simm.s32 $0x6A00;
	v3 =	vadd.s32 v1, v3  }
0x25f: {  	[tilespmem:s20], [sflag:$0x2] =	stream.indirect_vreg.gather [hbm4b:s5+s3], $0x80, v4, vm0, $0xb8;
	[tilespmem:$0x18200] =	vst v63  }
0x260: {  	s20 =	simm.s32 $0x7200  }
0x261: {  	[tilespmem:s20], [sflag:$0x2] =	stream.indirect_vreg.gather [hbm4b:s6+s3], $0x80, v4, vm0, $0xb8;
	[tilespmem:$0x18200] =	vst v63  }
0x262: {  	s20 =	simm.s32 $0x7A00  }
0x263: {  	[tilespmem:s20], [sflag:$0x2] =	stream.indirect_vreg.gather [hbm4b:s2+s3], $0x80, v3, vm0, $0xb8;
	[tilespmem:$0x18200] =	vst v63  }
0x264: {  	s20 =	simm.s32 $0x8200  }
0x265: {  	[tilespmem:s20], [sflag:$0x2] =	stream.indirect_vreg.gather [hbm4b:s5+s3], $0x80, v3, vm0, $0xb8;
	[tilespmem:$0x18200] =	vst v63  }
0x266: {  	s20 =	simm.s32 $0x8A00  }
0x267: {  	[tilespmem:s20], [sflag:$0x2] =	stream.indirect_vreg.gather [hbm4b:s6+s3], $0x80, v3, vm0, $0xb8;
	[tilespmem:$0x18200] =	vst v63  }
0x268: {  	v3 =	vld [tilespmem:$0x1B0];
	_ =	sdelay $0x4  }
0x269: {  	v59 =	vshrl.u32 v3, $0x3  }
0x26a: {  	v4 =	vmul.u32 $0x30, v59  }
0x26b: {  	v3 =	vand.u32 $0x7, v3  }
0x26c: {  	v3 =	vor.u32 v3, v4  }
0x26d: {  	v4 =	vperm.xlane v3, v0;
	_ =	sdelay $0x1  }
0x26e: {  	v4 =	vadd.s32 v1, v4;
	_ =	sdelay $0x3  }
0x26f: {  	s20 =	simm.s32 $0x9200;
	v3 =	vperm.xlane v3, v2  }
0x270: {  	[tilespmem:s20], [sflag:$0x2] =	stream.indirect_vreg.gather [hbm4b:s2+s3], $0x80, v4, vm0, $0xb8;
	[tilespmem:$0x18200] =	vst v63  }
0x271: {  	v3 =	vadd.s32 v1, v3;
	s20 =	simm.s32 $0x9A00  }
0x272: {  	[tilespmem:s20], [sflag:$0x2] =	stream.indirect_vreg.gather [hbm4b:s5+s3], $0x80, v4, vm0, $0xb8;
	[tilespmem:$0x18200] =	vst v63  }
0x273: {  	s30 =	simm.s32 $0xA200  }
0x274: {  	[tilespmem:s30], [sflag:$0x2] =	stream.indirect_vreg.gather [hbm4b:s6+s3], $0x80, v4, vm0, $0xb8;
	[tilespmem:$0x18200] =	vst v63  }
0x275: {  	s31 =	simm.s32 $0xAA00  }
0x276: {  	[tilespmem:s31], [sflag:$0x2] =	stream.indirect_vreg.gather [hbm4b:s2+s3], $0x80, v3, vm0, $0xb8;
	[tilespmem:$0x18200] =	vst v63  }
0x277: {  	s19 =	simm.s32 $0xB200  }
0x278: {  	[tilespmem:s19], [sflag:$0x2] =	stream.indirect_vreg.gather [hbm4b:s5+s3], $0x80, v3, vm0, $0xb8;
	[tilespmem:$0x18200] =	vst v63  }
0x279: {  	s22 =	simm.s32 $0xBA00  }
0x27a: {  	[tilespmem:s22], [sflag:$0x2] =	stream.indirect_vreg.gather [hbm4b:s6+s3], $0x80, v3, vm0, $0xb8;
	[tilespmem:$0x18200] =	vst v63  }
0x27b: {  	_ =	swait.ge [sflag:s13], $0x6000  }
0x27c: {  	[sflag:s13] =	ssyncset.done $0x0  }
0x27d: {  	s4 =	simm.s32 $0xC200;
	s19 =	rddreg [dreg:$0xe];
	[sflag:s13] =	ssyncadd.s32 $0xFFFFA000  }
0x27e: {  	[hbm4b:s19+s3] =	stream.linear.scatter [tilespmem:s4], [sflag:$0x7], $0x6000, $0x38;
	[tilespmem:$0x18200] =	vst v63  }
0x27f: {  	_ =	swait.ge [sflag:s14], $0x6000  }
0x280: {  	[sflag:s14] =	ssyncset.done $0x0  }
0x281: {  	[sflag:s14] =	ssyncadd.s32 $0xFFFFA000  }
0x282: {  	v3 =	vld [tilespmem:$0x1C0];
	_ =	sdelay $0x4  }
0x283: {  	v60 =	vshrl.u32 v3, $0x3  }
0x284: {  	v4 =	vmul.u32 $0x30, v60  }
0x285: {  	v3 =	vand.u32 $0x7, v3  }
0x286: {  	v3 =	vor.u32 v3, v4  }
0x287: {  	v4 =	vperm.xlane v3, v0;
	_ =	sdelay $0x1  }
0x288: {  	v4 =	vadd.s32 v1, v4;
	_ =	sdelay $0x3  }
0x289: {  	v3 =	vperm.xlane v3, v2  }
0x28a: {  	[tilespmem:s4], [sflag:$0x3] =	stream.indirect_vreg.gather [hbm4b:s2+s3], $0x80, v4, vm0, $0xb8;
	[tilespmem:$0x18200] =	vst v63  }
0x28b: {  	s29 =	simm.s32 $0xCA00;
	v3 =	vadd.s32 v1, v3  }
0x28c: {  	[tilespmem:s29], [sflag:$0x3] =	stream.indirect_vreg.gather [hbm4b:s5+s3], $0x80, v4, vm0, $0xb8;
	[tilespmem:$0x18200] =	vst v63  }
0x28d: {  	s20 =	simm.s32 $0xD200  }
0x28e: {  	[tilespmem:s20], [sflag:$0x3] =	stream.indirect_vreg.gather [hbm4b:s6+s3], $0x80, v4, vm0, $0xb8;
	[tilespmem:$0x18200] =	vst v63  }
0x28f: {  	s21 =	simm.s32 $0xDA00  }
0x290: {  	[tilespmem:s21], [sflag:$0x3] =	stream.indirect_vreg.gather [hbm4b:s2+s3], $0x80, v3, vm0, $0xb8;
	[tilespmem:$0x18200] =	vst v63  }
0x291: {  	s23 =	simm.s32 $0xE200  }
0x292: {  	[tilespmem:s23], [sflag:$0x3] =	stream.indirect_vreg.gather [hbm4b:s5+s3], $0x80, v3, vm0, $0xb8;
	[tilespmem:$0x18200] =	vst v63  }
0x293: {  	s22 =	simm.s32 $0xEA00  }
0x294: {  	[tilespmem:s22], [sflag:$0x3] =	stream.indirect_vreg.gather [hbm4b:s6+s3], $0x80, v3, vm0, $0xb8;
	[tilespmem:$0x18200] =	vst v63  }
0x295: {  	v3 =	vld [tilespmem:$0x1D0];
	_ =	sdelay $0x4  }
0x296: {  	v61 =	vshrl.u32 v3, $0x3  }
0x297: {  	v4 =	vmul.u32 $0x30, v61  }
0x298: {  	v3 =	vand.u32 $0x7, v3  }
0x299: {  	v3 =	vor.u32 v3, v4  }
0x29a: {  	v4 =	vperm.xlane v3, v0;
	_ =	sdelay $0x1  }
0x29b: {  	v4 =	vadd.s32 v1, v4;
	_ =	sdelay $0x3  }
0x29c: {  	s23 =	simm.s32 $0xF200;
	v3 =	vperm.xlane v3, v2  }
0x29d: {  	[tilespmem:s23], [sflag:$0x3] =	stream.indirect_vreg.gather [hbm4b:s2+s3], $0x80, v4, vm0, $0xb8;
	[tilespmem:$0x18200] =	vst v63  }
0x29e: {  	s24 =	simm.s32 $0xFA00;
	v3 =	vadd.s32 v1, v3  }
0x29f: {  	[tilespmem:s24], [sflag:$0x3] =	stream.indirect_vreg.gather [hbm4b:s5+s3], $0x80, v4, vm0, $0xb8;
	[tilespmem:$0x18200] =	vst v63  }
0x2a0: {  	s25 =	simm.s32 $0x10200  }
0x2a1: {  	[tilespmem:s25], [sflag:$0x3] =	stream.indirect_vreg.gather [hbm4b:s6+s3], $0x80, v4, vm0, $0xb8;
	[tilespmem:$0x18200] =	vst v63  }
0x2a2: {  	s26 =	simm.s32 $0x10A00  }
0x2a3: {  	[tilespmem:s26], [sflag:$0x3] =	stream.indirect_vreg.gather [hbm4b:s2+s3], $0x80, v3, vm0, $0xb8;
	[tilespmem:$0x18200] =	vst v63  }
0x2a4: {  	s28 =	simm.s32 $0x11200  }
0x2a5: {  	[tilespmem:s28], [sflag:$0x3] =	stream.indirect_vreg.gather [hbm4b:s5+s3], $0x80, v3, vm0, $0xb8;
	[tilespmem:$0x18200] =	vst v63  }
0x2a6: {  	s29 =	simm.s32 $0x11A00  }
0x2a7: {  	[tilespmem:s29], [sflag:$0x3] =	stream.indirect_vreg.gather [hbm4b:s6+s3], $0x80, v3, vm0, $0xb8;
	[tilespmem:$0x18200] =	vst v63  }
0x2a8: {  	_ =	swait.ge [sflag:s15], $0x6000  }
0x2a9: {  	[sflag:s15] =	ssyncset.done $0x0  }
0x2aa: {  	s30 =	rddreg [dreg:$0xf];
	[sflag:s15] =	ssyncadd.s32 $0xFFFFA000  }
0x2ab: {  	[hbm4b:s30+s3] =	stream.linear.scatter [tilespmem:s8], [sflag:$0x8], $0x6000, $0x38;
	[tilespmem:$0x18200] =	vst v63  }
0x2ac: {  	_ =	swait.ge [sflag:s16], $0x6000  }
0x2ad: {  	[sflag:s16] =	ssyncset.done $0x0  }
0x2ae: {  	[sflag:s16] =	ssyncadd.s32 $0xFFFFA000  }
0x2af: {  	v3 =	vld [tilespmem:$0x1E0];
	_ =	sdelay $0x4  }
0x2b0: {  	v62 =	vshrl.u32 v3, $0x3  }
0x2b1: {  	v4 =	vmul.u32 $0x30, v62  }
0x2b2: {  	v3 =	vand.u32 $0x7, v3  }
0x2b3: {  	v3 =	vor.u32 v3, v4  }
0x2b4: {  	v4 =	vperm.xlane v3, v0;
	_ =	sdelay $0x1  }
0x2b5: {  	v4 =	vadd.s32 v1, v4;
	_ =	sdelay $0x3  }
0x2b6: {  	v3 =	vperm.xlane v3, v2  }
0x2b7: {  	[tilespmem:s8], [sflag:$0x4] =	stream.indirect_vreg.gather [hbm4b:s2+s3], $0x80, v4, vm0, $0xb8;
	[tilespmem:$0x18200] =	vst v63  }
0x2b8: {  	v3 =	vadd.s32 v1, v3  }
0x2b9: {  	[tilespmem:s0], [sflag:$0x4] =	stream.indirect_vreg.gather [hbm4b:s5+s3], $0x80, v4, vm0, $0xb8;
	[tilespmem:$0x18200] =	vst v63  }
0x2ba: {  	s31 =	simm.s32 $0x13200  }
0x2bb: {  	[tilespmem:s31], [sflag:$0x4] =	stream.indirect_vreg.gather [hbm4b:s6+s3], $0x80, v4, vm0, $0xb8;
	[tilespmem:$0x18200] =	vst v63  }
0x2bc: {  	s17 =	simm.s32 $0x13A00  }
0x2bd: {  	[tilespmem:s17], [sflag:$0x4] =	stream.indirect_vreg.gather [hbm4b:s2+s3], $0x80, v3, vm0, $0xb8;
	[tilespmem:$0x18200] =	vst v63  }
0x2be: {  	s19 =	simm.s32 $0x14200  }
0x2bf: {  	[tilespmem:s19], [sflag:$0x4] =	stream.indirect_vreg.gather [hbm4b:s5+s3], $0x80, v3, vm0, $0xb8;
	[tilespmem:$0x18200] =	vst v63  }
0x2c0: {  	s20 =	simm.s32 $0x14A00  }
0x2c1: {  	[tilespmem:s20], [sflag:$0x4] =	stream.indirect_vreg.gather [hbm4b:s6+s3], $0x80, v3, vm0, $0xb8;
	[tilespmem:$0x18200] =	vst v63  }
0x2c2: {  	v3 =	vld [tilespmem:$0x1F0];
	_ =	sdelay $0x4  }
0x2c3: {  	v63 =	vshrl.u32 v3, $0x3  }
0x2c4: {  	v4 =	vmul.u32 $0x30, v63  }
0x2c5: {  	v3 =	vand.u32 $0x7, v3  }
0x2c6: {  	v3 =	vor.u32 v3, v4  }
0x2c7: {  	v4 =	vperm.xlane v3, v0;
	_ =	sdelay $0x1  }
0x2c8: {  	v4 =	vadd.s32 v1, v4;
	_ =	sdelay $0x3  }
0x2c9: {  	s21 =	simm.s32 $0x15200;
	v3 =	vperm.xlane v3, v2  }
0x2ca: {  	[tilespmem:s21], [sflag:$0x4] =	stream.indirect_vreg.gather [hbm4b:s2+s3], $0x80, v4, vm0, $0xb8;
	[tilespmem:$0x18200] =	vst v63  }
0x2cb: {  	s22 =	simm.s32 $0x15A00;
	v3 =	vadd.s32 v1, v3  }
0x2cc: {  	[tilespmem:s22], [sflag:$0x4] =	stream.indirect_vreg.gather [hbm4b:s5+s3], $0x80, v4, vm0, $0xb8;
	[tilespmem:$0x18200] =	vst v63  }
0x2cd: {  	s23 =	simm.s32 $0x16200  }
0x2ce: {  	[tilespmem:s23], [sflag:$0x4] =	stream.indirect_vreg.gather [hbm4b:s6+s3], $0x80, v4, vm0, $0xb8;
	[tilespmem:$0x18200] =	vst v63  }
0x2cf: {  	s24 =	simm.s32 $0x16A00  }
0x2d0: {  	[tilespmem:s24], [sflag:$0x4] =	stream.indirect_vreg.gather [hbm4b:s2+s3], $0x80, v3, vm0, $0xb8;
	[tilespmem:$0x18200] =	vst v63  }
0x2d1: {  	s25 =	simm.s32 $0x17200  }
0x2d2: {  	[tilespmem:s25], [sflag:$0x4] =	stream.indirect_vreg.gather [hbm4b:s5+s3], $0x80, v3, vm0, $0xb8;
	[tilespmem:$0x18200] =	vst v63  }
0x2d3: {  	s26 =	simm.s32 $0x17A00  }
0x2d4: {  	[tilespmem:s26], [sflag:$0x4] =	stream.indirect_vreg.gather [hbm4b:s6+s3], $0x80, v3, vm0, $0xb8;
	[tilespmem:$0x18200] =	vst v63  }
0x2d5: {  	_ =	swait.ge [sflag:s9], $0x6000  }
0x2d6: {  	[sflag:s9] =	ssyncset.done $0x0  }
0x2d7: {  	s1 =	simm.s32 $0x200;
	s28 =	rddreg [dreg:$0x10];
	[sflag:s9] =	ssyncadd.s32 $0xFFFFA000  }
0x2d8: {  	[hbm4b:s28+s3] =	stream.linear.scatter [tilespmem:s1], [sflag:$0x5], $0x6000, $0x38;
	[tilespmem:$0x18200] =	vst v63  }
0x2d9: {  	_ =	swait.ge [sflag:s11], $0x6000  }
0x2da: {  	[sflag:s11] =	ssyncset.done $0x0  }
0x2db: {  	s29 =	rddreg [dreg:$0x11];
	[sflag:s11] =	ssyncadd.s32 $0xFFFFA000  }
0x2dc: {  	[hbm4b:s29+s3] =	stream.linear.scatter [tilespmem:s18], [sflag:$0x6], $0x6000, $0x38;
	[tilespmem:$0x18200] =	vst v63  }
0x2dd: {  	_ =	swait.ge [sflag:s13], $0x6000  }
0x2de: {  	[sflag:s13] =	ssyncset.done $0x0  }
0x2df: {  	s30 =	rddreg [dreg:$0x12];
	[sflag:s13] =	ssyncadd.s32 $0xFFFFA000  }
0x2e0: {  	[hbm4b:s30+s3] =	stream.linear.scatter [tilespmem:s4], [sflag:$0x7], $0x6000, $0x38;
	[tilespmem:$0x18200] =	vst v63  }
0x2e1: {  	_ =	swait.ge [sflag:s15], $0x6000  }
0x2e2: {  	[sflag:s15] =	ssyncset.done $0x0  }
0x2e3: {  	s31 =	rddreg [dreg:$0x13];
	[sflag:s15] =	ssyncadd.s32 $0xFFFFA000  }
0x2e4: {  	[hbm4b:s31+s3] =	stream.linear.scatter [tilespmem:s8], [sflag:$0x8], $0x6000, $0x38;
	[tilespmem:$0x18200] =	vst v63  }
0x2e5: {  	_ =	swait.ge [sflag:s10], $0x6000  }
0x2e6: {  	[sflag:s10] =	ssyncset.done $0x0  }
0x2e7: {  	[sflag:s10] =	ssyncadd.s32 $0xFFFFA000  }
0x2e8: {  	_ =	swait.ge [sflag:s12], $0x6000  }
0x2e9: {  	[sflag:s12] =	ssyncset.done $0x0  }
0x2ea: {  	[sflag:s12] =	ssyncadd.s32 $0xFFFFA000  }
0x2eb: {  	p0 =	sne.s32 s7, $0x1;
	_ =	swait.ge [sflag:s14], $0x6000  }
.Ltmp0:
0x2ec: {  	[sflag:s14] =	ssyncset.done $0x0;
	(pc) =	sbr.rel @p0 .LBB2_1-.Ltmp0, $4  }
0x2ed: {  	[sflag:s14] =	ssyncadd.s32 $0xFFFFA000  }
0x2ee: {  	_ =	swait.ge [sflag:s16], $0x6000  }
0x2ef: {  	[sflag:s16] =	ssyncset.done $0x0  }
0x2f0: {  	s7 =	sadd.s32 $0xFFFFFFFF, s7;
	[sflag:s16] =	ssyncadd.s32 $0xFFFFA000  }
0x2f1: {  	_ =	sfence.sel $0x180000  }
0x2f2: {  	[bflag:$0x0] =	sbarrier.arrive $0xFFFF  }
0x2f3: {  	_ =	strace $0x90000047  }
0x2f4: {  	s0 =	stileid.u32;
	[bflag:$0x2] =	sbarrier.arrive $0xFFFF  }
0x2f5: {  	p0 =	sne.s32 s0, $0x0;
	s0 =	rddreg [dreg:$0x3]  }
0x2f6: {  	s0 =	sadd.s32 @!p0 $0x100000, s0  }
0x2f7: {  	[sflag:s0] =	ssyncadd.tile.s32 @!p0 $0x1;
	_ =	shalt  }
.Lfunc_end2:
_tile_overlayer_lowered:
.L_overlay_start_2:
0x2f8: {  	(tag) =	ssettag $0x2  }
0x2f9: {  	s0 =	rddreg [dreg:$0x0];
	s2 =	stileid.u32  }
0x2fa: {  	s1 =	rddreg [dreg:$0x1];
	p0 =	sne.s32 s2, $0x0  }
0x2fb: {  	s3 =	rddreg [dreg:$0x2];
	[bflag:$0x3] =	sbarrier.arrive $0xFFFF;
	s2 =	simm.s32 @!p0 $0x1C09  }
0x2fc: {  	[timem:s3], [sflag:s2] =	dma.local @!p0 [hbm:s0], s1  }
0x2fd: {  	s0 =	simm.s32 @!p0 $0x9  }
0x2fe: {  	_ =	swait.ge @!p0 [sflag:s0], s1  }
0x2ff: {  	s1 =	ssub.s32 @!p0 $0x0, s1;
	[sflag:s0] =	ssyncset.done @!p0 $0x0  }
0x300: {  	[sflag:s0] =	ssyncadd.s32 @!p0 s1  }
0x301: {  	[bflag:$0x3] =	sbarrier.arrive $0xFFFF  }
0x302: {  	_ =	shalt  }

</sc_bundles>
